<compile_context>
chip_gen: v7x
topology: tpu7x:2x2x1
jax: 0.10.2.dev20260603
libtpu: 0.0.44.dev20260713+nightly
codegen_flags: <defaults>
</compile_context>

<pallas_src>
import functools

import jax
import jax.numpy as jnp
from jax import lax
from jax.experimental import pallas as pl
from jax.experimental.pallas import tpu as pltpu
from jax.experimental.pallas import tpu_sc as plsc

N = 10000
D = 128
N_PAD = 10240
NC = 2
NS = 16
NW = NC * NS
CS = 128
CH = 80
EPT = CS * CH
EP = EPT * NW
ROWS_PT = N_PAD // NS

_mesh = plsc.VectorSubcoreMesh(core_axis_name="c", subcore_axis_name="s")


@functools.partial(
    pl.kernel,
    mesh=_mesh,
    out_type=jax.ShapeDtypeStruct((NC, N_PAD), jnp.float32),
    scratch_types=[
        pltpu.VMEM((CH, CS), jnp.int32),
        pltpu.VMEM((CS,), jnp.float32),
        pltpu.VMEM((ROWS_PT,), jnp.float32),
        pltpu.VMEM_SHARED((N_PAD,), jnp.float32),
    ],
)
def _sc_deg(dst_hbm, out_hbm, dstb, ones_v, zbuf, acc):
    cid = lax.axis_index("c")
    sid = lax.axis_index("s")
    wid = sid * NC + cid

    def fill(i, _):
        ones_v[pl.ds(i * 16, 16)] = jnp.ones((16,), jnp.float32)
        return 0

    lax.fori_loop(0, CS // 16, fill, 0)

    def zero(i, _):
        zbuf[pl.ds(i * 16, 16)] = jnp.zeros((16,), jnp.float32)
        return 0

    lax.fori_loop(0, ROWS_PT // 16, zero, 0)
    pltpu.sync_copy(zbuf, acc.at[pl.ds(sid * ROWS_PT, ROWS_PT)])
    plsc.subcore_barrier()

    pltpu.sync_copy(dst_hbm.at[wid], dstb)

    def count(j, _):
        pltpu.sync_copy(ones_v, acc.at[dstb.at[j]], add=True)
        return 0

    lax.fori_loop(0, CH, count, 0)
    plsc.subcore_barrier()
    pltpu.sync_copy(
        acc.at[pl.ds(sid * ROWS_PT, ROWS_PT)],
        out_hbm.at[cid, pl.ds(sid * ROWS_PT, ROWS_PT)],
    )


@functools.partial(
    pl.kernel,
    mesh=_mesh,
    out_type=jax.ShapeDtypeStruct((NC, N_PAD, D), jnp.float32),
    scratch_types=[
        pltpu.VMEM((CH, CS), jnp.int32),
        pltpu.VMEM((CH, CS), jnp.int32),
        pltpu.VMEM((CS, D), jnp.float32),
        pltpu.VMEM_SHARED((N_PAD, D), jnp.float32),
    ],
)
def _sc_scatter(g_hbm, src_hbm, dst_hbm, out_hbm, srcb, dstb, rows_a, acc):
    cid = lax.axis_index("c")
    sid = lax.axis_index("s")
    wid = sid * NC + cid

    def zrow(r, _):
        for cc in range(D // 16):
            rows_a[r, pl.ds(cc * 16, 16)] = jnp.zeros((16,), jnp.float32)
        return 0

    lax.fori_loop(0, CS, zrow, 0)

    def zcopy(k, _):
        pltpu.sync_copy(rows_a, acc.at[pl.ds(sid * ROWS_PT + k * CS, CS)])
        return 0

    lax.fori_loop(0, ROWS_PT // CS, zcopy, 0)
    plsc.subcore_barrier()

    pltpu.sync_copy(src_hbm.at[wid], srcb)
    pltpu.sync_copy(dst_hbm.at[wid], dstb)

    def step(j, _):
        pltpu.sync_copy(g_hbm.at[srcb.at[j]], rows_a)
        pltpu.sync_copy(rows_a, acc.at[dstb.at[j]], add=True)
        return 0

    lax.fori_loop(0, CH, step, 0)
    plsc.subcore_barrier()
    pltpu.sync_copy(
        acc.at[pl.ds(sid * ROWS_PT, ROWS_PT)],
        out_hbm.at[cid, pl.ds(sid * ROWS_PT, ROWS_PT)],
    )


_BLK = 1024
_GRID = N_PAD // _BLK


def _tc_prep_body(dp_ref, x_ref, w_ref, g_ref, dinv_ref):
    deg = dp_ref[0] + dp_ref[1] + 1.0
    dinv = lax.rsqrt(deg)
    dinv_ref[...] = dinv
    h = jnp.dot(x_ref[...], w_ref[...], preferred_element_type=jnp.float32)
    g_ref[...] = dinv * h


def _tc_prep(deg_parts, x_pad, w1):
    return pl.pallas_call(
        _tc_prep_body,
        grid=(_GRID,),
        in_specs=[
            pl.BlockSpec((NC, _BLK, 1), lambda i: (0, i, 0)),
            pl.BlockSpec((_BLK, D), lambda i: (i, 0)),
            pl.BlockSpec((D, D), lambda i: (0, 0)),
        ],
        out_specs=[
            pl.BlockSpec((_BLK, D), lambda i: (i, 0)),
            pl.BlockSpec((_BLK, 1), lambda i: (i, 0)),
        ],
        out_shape=[
            jax.ShapeDtypeStruct((N_PAD, D), jnp.float32),
            jax.ShapeDtypeStruct((N_PAD, 1), jnp.float32),
        ],
    )(deg_parts, x_pad, w1)


_COMBINE_SPECS = [
    pl.BlockSpec((NC, _BLK, D), lambda i: (0, i, 0)),
    pl.BlockSpec((_BLK, D), lambda i: (i, 0)),
    pl.BlockSpec((_BLK, 1), lambda i: (i, 0)),
    pl.BlockSpec((1, D), lambda i: (0, 0)),
]


def _tc_combine_stats_body(p_ref, g_ref, dinv_ref, b_ref, out_ref, st_ref):
    i = pl.program_id(0)
    o = dinv_ref[...] * (p_ref[0] + p_ref[1] + g_ref[...]) + b_ref[...]
    out_ref[...] = o
    rows = lax.broadcasted_iota(jnp.int32, (_BLK, 1), 0) + i * _BLK
    om = jnp.where(rows < N, o, 0.0)

    @pl.when(i == 0)
    def _():
        st_ref[...] = jnp.zeros_like(st_ref)

    st_ref[0:1, :] += jnp.sum(om, axis=0, keepdims=True)
    st_ref[1:2, :] += jnp.sum(om * om, axis=0, keepdims=True)


def _tc_combine_stats(parts, g, dinv, b):
    return pl.pallas_call(
        _tc_combine_stats_body,
        grid=(_GRID,),
        in_specs=_COMBINE_SPECS,
        out_specs=[
            pl.BlockSpec((_BLK, D), lambda i: (i, 0)),
            pl.BlockSpec((8, D), lambda i: (0, 0)),
        ],
        out_shape=[
            jax.ShapeDtypeStruct((N_PAD, D), jnp.float32),
            jax.ShapeDtypeStruct((8, D), jnp.float32),
        ],
    )(parts, g, dinv, b)


def _tc_bn_mm_body(h_ref, st_ref, gam_ref, bet_ref, w_ref, dinv_ref, g_ref):
    mean = st_ref[0:1, :] * (1.0 / N)
    ex2 = st_ref[1:2, :] * (1.0 / N)
    var = ex2 - mean * mean
    scale = gam_ref[...] * lax.rsqrt(var + 1e-5)
    y = jnp.maximum((h_ref[...] - mean) * scale + bet_ref[...], 0.0)
    hw = jnp.dot(y, w_ref[...], preferred_element_type=jnp.float32)
    g_ref[...] = dinv_ref[...] * hw


def _tc_bn_mm(h, stats, gamma, beta, w2, dinv):
    return pl.pallas_call(
        _tc_bn_mm_body,
        grid=(_GRID,),
        in_specs=[
            pl.BlockSpec((_BLK, D), lambda i: (i, 0)),
            pl.BlockSpec((8, D), lambda i: (0, 0)),
            pl.BlockSpec((1, D), lambda i: (0, 0)),
            pl.BlockSpec((1, D), lambda i: (0, 0)),
            pl.BlockSpec((D, D), lambda i: (0, 0)),
            pl.BlockSpec((_BLK, 1), lambda i: (i, 0)),
        ],
        out_specs=pl.BlockSpec((_BLK, D), lambda i: (i, 0)),
        out_shape=jax.ShapeDtypeStruct((N_PAD, D), jnp.float32),
    )(h, stats, gamma, beta, w2, dinv)


def _tc_combine_body(p_ref, g_ref, dinv_ref, b_ref, out_ref):
    out_ref[...] = (
        dinv_ref[...] * (p_ref[0] + p_ref[1] + g_ref[...]) + b_ref[...]
    )


def _tc_combine(parts, g, dinv, b):
    return pl.pallas_call(
        _tc_combine_body,
        grid=(_GRID,),
        in_specs=_COMBINE_SPECS,
        out_specs=pl.BlockSpec((_BLK, D), lambda i: (i, 0)),
        out_shape=jax.ShapeDtypeStruct((N_PAD, D), jnp.float32),
    )(parts, g, dinv, b)


@jax.jit
def kernel(x, edge_index, W1, b1, gamma, beta, W2, b2):
    e = edge_index.shape[1]
    pad = EP - e
    src = jnp.concatenate(
        [edge_index[0].astype(jnp.int32), jnp.full((pad,), N, jnp.int32)]
    ).reshape(NW, CH, CS)
    dst = jnp.concatenate(
        [edge_index[1].astype(jnp.int32), jnp.full((pad,), N, jnp.int32)]
    ).reshape(NW, CH, CS)
    x_pad = jnp.zeros((N_PAD, D), jnp.float32).at[:N].set(x)

    deg_parts = _sc_deg(dst)
    g1, dinv = _tc_prep(deg_parts.reshape(NC, N_PAD, 1), x_pad, W1)

    s_parts = _sc_scatter(g1, src, dst)
    h1, stats = _tc_combine_stats(s_parts, g1, dinv, b1.reshape(1, D))
    g2 = _tc_bn_mm(h1, stats, gamma.reshape(1, D), beta.reshape(1, D),
                   W2, dinv)
    t_parts = _sc_scatter(g2, src, dst)
    out_full = _tc_combine(t_parts, g2, dinv, b2.reshape(1, D))
    return out_full[:N]

# --- scband reference (transcript-rebuilt; emitter-appended) ---
"""Pipeline reference for scband-gcn-13529146983053 (READ-ONLY COPY).

The authoritative reference and input builder live on the scoring server;
editing this copy changes nothing except your own understanding.
"""

import jax, jax.numpy as jnp
import numpy as np

N = 10000
D = 128
E = 320000

def setup_inputs(seed: int = 0) -> dict:
    key = jax.random.key(seed)
    k1, k2, k3, k4 = jax.random.split(key, 4)
    x = jax.random.normal(k1, (N, D), dtype=jnp.float32)
    edge_index = jax.random.randint(k2, (2, E), 0, N)
    W1 = jax.random.normal(k3, (D, D), dtype=jnp.float32) * 0.05
    b1 = jnp.zeros((D,), dtype=jnp.float32)
    gamma = jnp.ones((D,), dtype=jnp.float32)
    beta = jnp.zeros((D,), dtype=jnp.float32)
    W2 = jax.random.normal(k4, (D, D), dtype=jnp.float32) * 0.05
    b2 = jnp.zeros((D,), dtype=jnp.float32)
    return {"x": x, "edge_index": edge_index, "W1": W1, "b1": b1,
            "gamma": gamma, "beta": beta, "W2": W2, "b2": b2}


def _gcn_conv(x, src, dst, W, b, n):
    # linear transform
    h = x @ W
    # symmetric normalization with self-loops already appended to src/dst
    deg = jnp.zeros((n,), h.dtype).at[dst].add(1.0)
    dinv = jax.lax.rsqrt(jnp.maximum(deg, 1e-12))
    norm = dinv[src] * dinv[dst]
    # gather messages, scale, scatter-add to destination nodes
    msg = h[src] * norm[:, None]
    out = jnp.zeros((n, h.shape[1]), h.dtype).at[dst].add(msg)
    return out + b


def reference(x, edge_index, W1, b1, gamma, beta, W2, b2):
    n = x.shape[0]
    loops = jnp.arange(n, dtype=edge_index.dtype)
    src = jnp.concatenate([edge_index[0], loops])
    dst = jnp.concatenate([edge_index[1], loops])
    # conv1
    h = _gcn_conv(x, src, dst, W1, b1, n)
    # BatchNorm1d (training mode: batch statistics, biased variance)
    mean = jnp.mean(h, axis=0)
    var = jnp.var(h, axis=0)
    h = (h - mean) / jnp.sqrt(var + 1e-5) * gamma + beta
    # ReLU
    h = jax.nn.relu(h)
    # conv2 (output layer, no bn/relu)
    out = _gcn_conv(h, src, dst, W2, b2, n)
    return out

if __name__ == "__main__":
    import jax
    _d = setup_inputs()
    print(jax.jit(kernel)(*tuple(_d.values())))

</pallas_src>

<mosaic_0001>
#map = affine_map<(d0, d1) -> (0, 0, 0)>
#map1 = affine_map<(d0, d1) -> (0, 0)>
module attributes {stable_mosaic.version = 14 : i64} {
  func.func @_sc_deg(%arg0: i32, %arg1: i32, %arg2: memref<32x80x128xi32, #tpu.memory_space<hbm>>, %arg3: memref<2x10240xf32, #tpu.memory_space<hbm>>, %arg4: memref<80x128xi32, #tpu.memory_space<vmem>>, %arg5: memref<128xf32, #tpu.memory_space<vmem>>, %arg6: memref<640xf32, #tpu.memory_space<vmem>>, %arg7: memref<10240xf32, #tpu.memory_space<vmem_shared>>) attributes {dimension_semantics = [#tpu.dimension_semantics<core_parallel>, #tpu.dimension_semantics<subcore_parallel>], iteration_bounds = array<i64: 2, 16>, scalar_prefetch = 0 : i64, scratch_operands = 4 : i64, tpu.core_type = #tpu.core_type<sc_vector_subcore>, window_params = [{transform_indices = #map}, {transform_indices = #map1}]} {
    %mul3A = arith.constant 2 : i32
    %mul3A_0 = arith.muli %arg1, %mul3A : i32
    %add3A = arith.addi %mul3A_0, %arg0 : i32
    %scan3A = arith.constant 0 : i32
    %scan3A_1 = arith.constant 0 : i32
    %scan3A_2 = arith.constant 8 : i32
    %scan3A_3 = arith.addi %scan3A_1, %scan3A_2 : i32
    %scan3A_4 = arith.constant 1 : i32
    %scan3A_5 = scf.for %scan3A_28 = %scan3A_1 to %scan3A_3 step %scan3A_4 iter_args(%scan3A_29 = %scan3A) -> (i32)  : i32 {
      %broadcast_in_dim3A = arith.constant 1.000000e+00 : f32
      %broadcast_in_dim3A_30 = vector.broadcast %broadcast_in_dim3A : f32 to vector<16xf32>
      %mul3A_31 = arith.constant 16 : i32
      %mul3A_32 = arith.muli %scan3A_28, %mul3A_31 : i32
      %swap3A = arith.index_cast %mul3A_32 : i32 to index
      %swap3A_33 = tpu.vector_load %arg5[%swap3A] {strides = array<i32>} : memref<128xf32, #tpu.memory_space<vmem>>, vector<16xf32>,
      %swap3A_34 = vector.shape_cast %swap3A_33 : vector<16xf32> to vector<16xf32>
      %swap3A_35 = vector.shape_cast %broadcast_in_dim3A_30 : vector<16xf32> to vector<16xf32>
      tpu.vector_store %arg5[%swap3A], %swap3A_35 {strides = array<i32>} : memref<128xf32, #tpu.memory_space<vmem>>, vector<16xf32>,
      %scan3A_36 = arith.constant 0 : i32
      scf.yield %scan3A_36 : i32
    }
    %scan3A_6 = arith.constant 8 : i32
    %scan3A_7 = arith.constant 0 : i32
    %scan3A_8 = arith.constant 0 : i32
    %scan3A_9 = arith.constant 40 : i32
    %scan3A_10 = arith.addi %scan3A_8, %scan3A_9 : i32
    %scan3A_11 = arith.constant 1 : i32
    %scan3A_12 = scf.for %scan3A_28 = %scan3A_8 to %scan3A_10 step %scan3A_11 iter_args(%scan3A_29 = %scan3A_7) -> (i32)  : i32 {
      %broadcast_in_dim3A = arith.constant 0.000000e+00 : f32
      %broadcast_in_dim3A_30 = vector.broadcast %broadcast_in_dim3A : f32 to vector<16xf32>
      %mul3A_31 = arith.constant 16 : i32
      %mul3A_32 = arith.muli %scan3A_28, %mul3A_31 : i32
      %swap3A = arith.index_cast %mul3A_32 : i32 to index
      %swap3A_33 = tpu.vector_load %arg6[%swap3A] {strides = array<i32>} : memref<640xf32, #tpu.memory_space<vmem>>, vector<16xf32>,
      %swap3A_34 = vector.shape_cast %swap3A_33 : vector<16xf32> to vector<16xf32>
      %swap3A_35 = vector.shape_cast %broadcast_in_dim3A_30 : vector<16xf32> to vector<16xf32>
      tpu.vector_store %arg6[%swap3A], %swap3A_35 {strides = array<i32>} : memref<640xf32, #tpu.memory_space<vmem>>, vector<16xf32>,
      %scan3A_36 = arith.constant 0 : i32
      scf.yield %scan3A_36 : i32
    }
    %scan3A_13 = arith.constant 40 : i32
    %mul3A_14 = arith.constant 640 : i32
    %mul3A_15 = arith.muli %arg1, %mul3A_14 : i32
    "tpu.region"() ({
      %run_scoped3A = tpu.sem_alloc : memref<!tpu.dma_semaphore, #tpu.memory_space<semaphore_mem>>
      %dma_start3A = tpu.memref_slice %arg7[%mul3A_15] : memref<10240xf32, #tpu.memory_space<vmem_shared>> -> memref<640xf32, #tpu.memory_space<vmem_shared>>
      %dma_start3A_28 = tpu.memref_slice %arg7[%mul3A_15] : memref<10240xf32, #tpu.memory_space<vmem_shared>> -> memref<640xf32, #tpu.memory_space<vmem_shared>>
      tpu.enqueue_dma source(%arg6 : memref<640xf32, #tpu.memory_space<vmem>>) target(%dma_start3A_28 : memref<640xf32, #tpu.memory_space<vmem_shared>>) target_semaphore(%run_scoped3A : memref<!tpu.dma_semaphore, #tpu.memory_space<semaphore_mem>>)
      %dma_wait3A = tpu.memref_slice %arg7[%mul3A_15] : memref<10240xf32, #tpu.memory_space<vmem_shared>> -> memref<640xf32, #tpu.memory_space<vmem_shared>>
      %dma_wait3A_29 = tpu.memref_slice %arg7[%mul3A_15] : memref<10240xf32, #tpu.memory_space<vmem_shared>> -> memref<640xf32, #tpu.memory_space<vmem_shared>>
      tpu.wait_dma2 semaphore(%run_scoped3A : memref<!tpu.dma_semaphore, #tpu.memory_space<semaphore_mem>>) src(%arg6 : memref<640xf32, #tpu.memory_space<vmem>>) dst(%dma_wait3A_29 : memref<640xf32, #tpu.memory_space<vmem_shared>>)
      tpu.yield
    }) : () -> ()
    %barrier3A = arith.constant 0 : index
    tpu.barrier barrier_id(%barrier3A)
    "tpu.region"() ({
      %run_scoped3A = tpu.sem_alloc : memref<!tpu.dma_semaphore, #tpu.memory_space<semaphore_mem>>
      %dma_start3A = arith.constant 0 : i32
      %dma_start3A_28 = arith.constant 0 : i32
      %dma_start3A_29 = tpu.memref_slice %arg2[%add3A, %dma_start3A, %dma_start3A_28] : memref<32x80x128xi32, #tpu.memory_space<hbm>> -> memref<1x80x128xi32, #tpu.memory_space<hbm>>
      %dma_start3A_30 = tpu.memref_squeeze %dma_start3A_29 : memref<1x80x128xi32, #tpu.memory_space<hbm>> -> memref<80x128xi32, #tpu.memory_space<hbm>>
      %dma_start3A_31 = arith.constant 0 : i32
      %dma_start3A_32 = arith.constant 0 : i32
      %dma_start3A_33 = tpu.memref_slice %arg2[%add3A, %dma_start3A_31, %dma_start3A_32] : memref<32x80x128xi32, #tpu.memory_space<hbm>> -> memref<1x80x128xi32, #tpu.memory_space<hbm>>
      %dma_start3A_34 = tpu.memref_squeeze %dma_start3A_33 : memref<1x80x128xi32, #tpu.memory_space<hbm>> -> memref<80x128xi32, #tpu.memory_space<hbm>>
      tpu.enqueue_dma source(%dma_start3A_34 : memref<80x128xi32, #tpu.memory_space<hbm>>) target(%arg4 : memref<80x128xi32, #tpu.memory_space<vmem>>) target_semaphore(%run_scoped3A : memref<!tpu.dma_semaphore, #tpu.memory_space<semaphore_mem>>)
      %dma_wait3A = arith.constant 0 : i32
      %dma_wait3A_35 = arith.constant 0 : i32
      %dma_wait3A_36 = tpu.memref_slice %arg2[%add3A, %dma_wait3A, %dma_wait3A_35] : memref<32x80x128xi32, #tpu.memory_space<hbm>> -> memref<1x80x128xi32, #tpu.memory_space<hbm>>
      %dma_wait3A_37 = tpu.memref_squeeze %dma_wait3A_36 : memref<1x80x128xi32, #tpu.memory_space<hbm>> -> memref<80x128xi32, #tpu.memory_space<hbm>>
      %dma_wait3A_38 = arith.constant 0 : i32
      %dma_wait3A_39 = arith.constant 0 : i32
      %dma_wait3A_40 = tpu.memref_slice %arg2[%add3A, %dma_wait3A_38, %dma_wait3A_39] : memref<32x80x128xi32, #tpu.memory_space<hbm>> -> memref<1x80x128xi32, #tpu.memory_space<hbm>>
      %dma_wait3A_41 = tpu.memref_squeeze %dma_wait3A_40 : memref<1x80x128xi32, #tpu.memory_space<hbm>> -> memref<80x128xi32, #tpu.memory_space<hbm>>
      tpu.wait_dma2 semaphore(%run_scoped3A : memref<!tpu.dma_semaphore, #tpu.memory_space<semaphore_mem>>) src(%dma_wait3A_41 : memref<80x128xi32, #tpu.memory_space<hbm>>) dst(%arg4 : memref<80x128xi32, #tpu.memory_space<vmem>>)
      tpu.yield
    }) : () -> ()
    %scan3A_16 = arith.constant 0 : i32
    %scan3A_17 = arith.constant 0 : i32
    %scan3A_18 = arith.constant 80 : i32
    %scan3A_19 = arith.addi %scan3A_17, %scan3A_18 : i32
    %scan3A_20 = arith.constant 1 : i32
    %scan3A_21 = scf.for %scan3A_28 = %scan3A_17 to %scan3A_19 step %scan3A_20 iter_args(%scan3A_29 = %scan3A_16) -> (i32)  : i32 {
      "tpu.region"() ({
        %run_scoped3A = tpu.sem_alloc : memref<!tpu.dma_semaphore, #tpu.memory_space<semaphore_mem>>
        %dma_start3A = arith.constant 0 : i32
        %dma_start3A_31 = tpu.memref_slice %arg4[%scan3A_28, %dma_start3A] : memref<80x128xi32, #tpu.memory_space<vmem>> -> memref<1x128xi32, #tpu.memory_space<vmem>>
        %dma_start3A_32 = tpu.memref_squeeze %dma_start3A_31 : memref<1x128xi32, #tpu.memory_space<vmem>> -> memref<128xi32, #tpu.memory_space<vmem>>
        %dma_start3A_33 = arith.constant 0 : i32
        %dma_start3A_34 = tpu.memref_slice %arg7[%dma_start3A_33] : memref<10240xf32, #tpu.memory_space<vmem_shared>> -> memref<10240xf32, #tpu.memory_space<vmem_shared>>
        tpu.enqueue_indirect_dma source(%arg5 : memref<128xf32, #tpu.memory_space<vmem>>) target(%dma_start3A_34 : memref<10240xf32, #tpu.memory_space<vmem_shared>>) offsets(%dma_start3A_32 : memref<128xi32, #tpu.memory_space<vmem>>) semaphore(%run_scoped3A : memref<!tpu.dma_semaphore, #tpu.memory_space<semaphore_mem>>) {add = true}
        %dma_wait3A = arith.constant 0 : i32
        %dma_wait3A_35 = tpu.memref_slice %arg4[%scan3A_28, %dma_wait3A] : memref<80x128xi32, #tpu.memory_space<vmem>> -> memref<1x128xi32, #tpu.memory_space<vmem>>
        %dma_wait3A_36 = tpu.memref_squeeze %dma_wait3A_35 : memref<1x128xi32, #tpu.memory_space<vmem>> -> memref<128xi32, #tpu.memory_space<vmem>>
        %dma_wait3A_37 = arith.constant 0 : i32
        %dma_wait3A_38 = tpu.memref_slice %arg7[%dma_wait3A_37] : memref<10240xf32, #tpu.memory_space<vmem_shared>> -> memref<10240xf32, #tpu.memory_space<vmem_shared>>
        tpu.wait_indirect_dma semaphore(%run_scoped3A : memref<!tpu.dma_semaphore, #tpu.memory_space<semaphore_mem>>) src(%arg5 : memref<128xf32, #tpu.memory_space<vmem>>) dst(%dma_wait3A_38 : memref<10240xf32, #tpu.memory_space<vmem_shared>>)
        tpu.yield
      }) : () -> ()
      %scan3A_30 = arith.constant 0 : i32
      scf.yield %scan3A_30 : i32
    }
    %scan3A_22 = arith.constant 80 : i32
    %barrier3A_23 = arith.constant 0 : index
    tpu.barrier barrier_id(%barrier3A_23)
    %mul3A_24 = arith.constant 640 : i32
    %mul3A_25 = arith.muli %arg1, %mul3A_24 : i32
    %mul3A_26 = arith.constant 640 : i32
    %mul3A_27 = arith.muli %arg1, %mul3A_26 : i32
    "tpu.region"() ({
      %run_scoped3A = tpu.sem_alloc : memref<!tpu.dma_semaphore, #tpu.memory_space<semaphore_mem>>
      %dma_start3A = tpu.memref_slice %arg3[%arg0, %mul3A_27] : memref<2x10240xf32, #tpu.memory_space<hbm>> -> memref<1x640xf32, #tpu.memory_space<hbm>>
      %dma_start3A_28 = tpu.memref_squeeze %dma_start3A : memref<1x640xf32, #tpu.memory_space<hbm>> -> memref<640xf32, #tpu.memory_space<hbm>>
      %dma_start3A_29 = tpu.memref_slice %arg7[%mul3A_25] : memref<10240xf32, #tpu.memory_space<vmem_shared>> -> memref<640xf32, #tpu.memory_space<vmem_shared>>
      tpu.enqueue_dma source(%dma_start3A_29 : memref<640xf32, #tpu.memory_space<vmem_shared>>) target(%dma_start3A_28 : memref<640xf32, #tpu.memory_space<hbm>>) target_semaphore(%run_scoped3A : memref<!tpu.dma_semaphore, #tpu.memory_space<semaphore_mem>>)
      %dma_wait3A = tpu.memref_slice %arg3[%arg0, %mul3A_27] : memref<2x10240xf32, #tpu.memory_space<hbm>> -> memref<1x640xf32, #tpu.memory_space<hbm>>
      %dma_wait3A_30 = tpu.memref_squeeze %dma_wait3A : memref<1x640xf32, #tpu.memory_space<hbm>> -> memref<640xf32, #tpu.memory_space<hbm>>
      %dma_wait3A_31 = tpu.memref_slice %arg7[%mul3A_25] : memref<10240xf32, #tpu.memory_space<vmem_shared>> -> memref<640xf32, #tpu.memory_space<vmem_shared>>
      tpu.wait_dma2 semaphore(%run_scoped3A : memref<!tpu.dma_semaphore, #tpu.memory_space<semaphore_mem>>) src(%dma_wait3A_31 : memref<640xf32, #tpu.memory_space<vmem_shared>>) dst(%dma_wait3A_30 : memref<640xf32, #tpu.memory_space<hbm>>)
      tpu.yield
    }) : () -> ()
    return
  }
}

#map = affine_map<(d0, d1) -> (0, 0)>
#map1 = affine_map<(d0, d1) -> (0, 0, 0)>
module attributes {stable_mosaic.version = 14 : i64} {
  func.func @_sc_scatter(%arg0: i32, %arg1: i32, %arg2: memref<10240x128xf32, #tpu.memory_space<hbm>>, %arg3: memref<32x80x128xi32, #tpu.memory_space<hbm>>, %arg4: memref<32x80x128xi32, #tpu.memory_space<hbm>>, %arg5: memref<2x10240x128xf32, #tpu.memory_space<hbm>>, %arg6: memref<80x128xi32, #tpu.memory_space<vmem>>, %arg7: memref<80x128xi32, #tpu.memory_space<vmem>>, %arg8: memref<128x128xf32, #tpu.memory_space<vmem>>, %arg9: memref<10240x128xf32, #tpu.memory_space<vmem_shared>>) attributes {dimension_semantics = [#tpu.dimension_semantics<core_parallel>, #tpu.dimension_semantics<subcore_parallel>], iteration_bounds = array<i64: 2, 16>, scalar_prefetch = 0 : i64, scratch_operands = 4 : i64, tpu.core_type = #tpu.core_type<sc_vector_subcore>, window_params = [{transform_indices = #map}, {transform_indices = #map1}, {transform_indices = #map1}, {transform_indices = #map1}]} {
    %mul3A = arith.constant 2 : i32
    %mul3A_0 = arith.muli %arg1, %mul3A : i32
    %add3A = arith.addi %mul3A_0, %arg0 : i32
    %scan3A = arith.constant 0 : i32
    %scan3A_1 = arith.constant 0 : i32
    %scan3A_2 = arith.constant 128 : i32
    %scan3A_3 = arith.addi %scan3A_1, %scan3A_2 : i32
    %scan3A_4 = arith.constant 1 : i32
    %scan3A_5 = scf.for %scan3A_26 = %scan3A_1 to %scan3A_3 step %scan3A_4 iter_args(%scan3A_27 = %scan3A) -> (i32)  : i32 {
      %broadcast_in_dim3A = arith.constant 0.000000e+00 : f32
      %broadcast_in_dim3A_28 = vector.broadcast %broadcast_in_dim3A : f32 to vector<16xf32>
      %swap3A = arith.index_cast %scan3A_26 : i32 to index
      %swap3A_29 = arith.constant 0 : index
      %swap3A_30 = tpu.vector_load %arg8[%swap3A, %swap3A_29] {strides = array<i32>} : memref<128x128xf32, #tpu.memory_space<vmem>>, vector<1x16xf32>,
      %swap3A_31 = vector.shape_cast %swap3A_30 : vector<1x16xf32> to vector<16xf32>
      %swap3A_32 = vector.shape_cast %broadcast_in_dim3A_28 : vector<16xf32> to vector<1x16xf32>
      tpu.vector_store %arg8[%swap3A, %swap3A_29], %swap3A_32 {strides = array<i32>} : memref<128x128xf32, #tpu.memory_space<vmem>>, vector<1x16xf32>,
      %broadcast_in_dim3A_33 = arith.constant 0.000000e+00 : f32
      %broadcast_in_dim3A_34 = vector.broadcast %broadcast_in_dim3A_33 : f32 to vector<16xf32>
      %swap3A_35 = arith.index_cast %scan3A_26 : i32 to index
      %swap3A_36 = arith.constant 16 : index
      %swap3A_37 = tpu.vector_load %arg8[%swap3A_35, %swap3A_36] {strides = array<i32>} : memref<128x128xf32, #tpu.memory_space<vmem>>, vector<1x16xf32>,
      %swap3A_38 = vector.shape_cast %swap3A_37 : vector<1x16xf32> to vector<16xf32>
      %swap3A_39 = vector.shape_cast %broadcast_in_dim3A_34 : vector<16xf32> to vector<1x16xf32>
      tpu.vector_store %arg8[%swap3A_35, %swap3A_36], %swap3A_39 {strides = array<i32>} : memref<128x128xf32, #tpu.memory_space<vmem>>, vector<1x16xf32>,
      %broadcast_in_dim3A_40 = arith.constant 0.000000e+00 : f32
      %broadcast_in_dim3A_41 = vector.broadcast %broadcast_in_dim3A_40 : f32 to vector<16xf32>
      %swap3A_42 = arith.index_cast %scan3A_26 : i32 to index
      %swap3A_43 = arith.constant 32 : index
      %swap3A_44 = tpu.vector_load %arg8[%swap3A_42, %swap3A_43] {strides = array<i32>} : memref<128x128xf32, #tpu.memory_space<vmem>>, vector<1x16xf32>,
      %swap3A_45 = vector.shape_cast %swap3A_44 : vector<1x16xf32> to vector<16xf32>
      %swap3A_46 = vector.shape_cast %broadcast_in_dim3A_41 : vector<16xf32> to vector<1x16xf32>
      tpu.vector_store %arg8[%swap3A_42, %swap3A_43], %swap3A_46 {strides = array<i32>} : memref<128x128xf32, #tpu.memory_space<vmem>>, vector<1x16xf32>,
      %broadcast_in_dim3A_47 = arith.constant 0.000000e+00 : f32
      %broadcast_in_dim3A_48 = vector.broadcast %broadcast_in_dim3A_47 : f32 to vector<16xf32>
      %swap3A_49 = arith.index_cast %scan3A_26 : i32 to index
      %swap3A_50 = arith.constant 48 : index
      %swap3A_51 = tpu.vector_load %arg8[%swap3A_49, %swap3A_50] {strides = array<i32>} : memref<128x128xf32, #tpu.memory_space<vmem>>, vector<1x16xf32>,
      %swap3A_52 = vector.shape_cast %swap3A_51 : vector<1x16xf32> to vector<16xf32>
      %swap3A_53 = vector.shape_cast %broadcast_in_dim3A_48 : vector<16xf32> to vector<1x16xf32>
      tpu.vector_store %arg8[%swap3A_49, %swap3A_50], %swap3A_53 {strides = array<i32>} : memref<128x128xf32, #tpu.memory_space<vmem>>, vector<1x16xf32>,
      %broadcast_in_dim3A_54 = arith.constant 0.000000e+00 : f32
      %broadcast_in_dim3A_55 = vector.broadcast %broadcast_in_dim3A_54 : f32 to vector<16xf32>
      %swap3A_56 = arith.index_cast %scan3A_26 : i32 to index
      %swap3A_57 = arith.constant 64 : index
      %swap3A_58 = tpu.vector_load %arg8[%swap3A_56, %swap3A_57] {strides = array<i32>} : memref<128x128xf32, #tpu.memory_space<vmem>>, vector<1x16xf32>,
      %swap3A_59 = vector.shape_cast %swap3A_58 : vector<1x16xf32> to vector<16xf32>
      %swap3A_60 = vector.shape_cast %broadcast_in_dim3A_55 : vector<16xf32> to vector<1x16xf32>
      tpu.vector_store %arg8[%swap3A_56, %swap3A_57], %swap3A_60 {strides = array<i32>} : memref<128x128xf32, #tpu.memory_space<vmem>>, vector<1x16xf32>,
      %broadcast_in_dim3A_61 = arith.constant 0.000000e+00 : f32
      %broadcast_in_dim3A_62 = vector.broadcast %broadcast_in_dim3A_61 : f32 to vector<16xf32>
      %swap3A_63 = arith.index_cast %scan3A_26 : i32 to index
      %swap3A_64 = arith.constant 80 : index
      %swap3A_65 = tpu.vector_load %arg8[%swap3A_63, %swap3A_64] {strides = array<i32>} : memref<128x128xf32, #tpu.memory_space<vmem>>, vector<1x16xf32>,
      %swap3A_66 = vector.shape_cast %swap3A_65 : vector<1x16xf32> to vector<16xf32>
      %swap3A_67 = vector.shape_cast %broadcast_in_dim3A_62 : vector<16xf32> to vector<1x16xf32>
      tpu.vector_store %arg8[%swap3A_63, %swap3A_64], %swap3A_67 {strides = array<i32>} : memref<128x128xf32, #tpu.memory_space<vmem>>, vector<1x16xf32>,
      %broadcast_in_dim3A_68 = arith.constant 0.000000e+00 : f32
      %broadcast_in_dim3A_69 = vector.broadcast %broadcast_in_dim3A_68 : f32 to vector<16xf32>
      %swap3A_70 = arith.index_cast %scan3A_26 : i32 to index
      %swap3A_71 = arith.constant 96 : index
      %swap3A_72 = tpu.vector_load %arg8[%swap3A_70, %swap3A_71] {strides = array<i32>} : memref<128x128xf32, #tpu.memory_space<vmem>>, vector<1x16xf32>,
      %swap3A_73 = vector.shape_cast %swap3A_72 : vector<1x16xf32> to vector<16xf32>
      %swap3A_74 = vector.shape_cast %broadcast_in_dim3A_69 : vector<16xf32> to vector<1x16xf32>
      tpu.vector_store %arg8[%swap3A_70, %swap3A_71], %swap3A_74 {strides = array<i32>} : memref<128x128xf32, #tpu.memory_space<vmem>>, vector<1x16xf32>,
      %broadcast_in_dim3A_75 = arith.constant 0.000000e+00 : f32
      %broadcast_in_dim3A_76 = vector.broadcast %broadcast_in_dim3A_75 : f32 to vector<16xf32>
      %swap3A_77 = arith.index_cast %scan3A_26 : i32 to index
      %swap3A_78 = arith.constant 112 : index
      %swap3A_79 = tpu.vector_load %arg8[%swap3A_77, %swap3A_78] {strides = array<i32>} : memref<128x128xf32, #tpu.memory_space<vmem>>, vector<1x16xf32>,
      %swap3A_80 = vector.shape_cast %swap3A_79 : vector<1x16xf32> to vector<16xf32>
      %swap3A_81 = vector.shape_cast %broadcast_in_dim3A_76 : vector<16xf32> to vector<1x16xf32>
      tpu.vector_store %arg8[%swap3A_77, %swap3A_78], %swap3A_81 {strides = array<i32>} : memref<128x128xf32, #tpu.memory_space<vmem>>, vector<1x16xf32>,
      %scan3A_82 = arith.constant 0 : i32
      scf.yield %scan3A_82 : i32
    }
    %scan3A_6 = arith.constant 128 : i32
    %scan3A_7 = arith.constant 0 : i32
    %scan3A_8 = arith.constant 0 : i32
    %scan3A_9 = arith.constant 5 : i32
    %scan3A_10 = arith.addi %scan3A_8, %scan3A_9 : i32
    %scan3A_11 = arith.constant 1 : i32
    %scan3A_12 = scf.for %scan3A_26 = %scan3A_8 to %scan3A_10 step %scan3A_11 iter_args(%scan3A_27 = %scan3A_7) -> (i32)  : i32 {
      %mul3A_28 = arith.constant 640 : i32
      %mul3A_29 = arith.muli %arg1, %mul3A_28 : i32
      %mul3A_30 = arith.constant 128 : i32
      %mul3A_31 = arith.muli %scan3A_26, %mul3A_30 : i32
      %add3A_32 = arith.addi %mul3A_29, %mul3A_31 : i32
      "tpu.region"() ({
        %run_scoped3A = tpu.sem_alloc : memref<!tpu.dma_semaphore, #tpu.memory_space<semaphore_mem>>
        %dma_start3A = arith.constant 0 : i32
        %dma_start3A_34 = tpu.memref_slice %arg9[%add3A_32, %dma_start3A] : memref<10240x128xf32, #tpu.memory_space<vmem_shared>> -> memref<128x128xf32, #tpu.memory_space<vmem_shared>>
        %dma_start3A_35 = arith.constant 0 : i32
        %dma_start3A_36 = tpu.memref_slice %arg9[%add3A_32, %dma_start3A_35] : memref<10240x128xf32, #tpu.memory_space<vmem_shared>> -> memref<128x128xf32, #tpu.memory_space<vmem_shared>>
        tpu.enqueue_dma source(%arg8 : memref<128x128xf32, #tpu.memory_space<vmem>>) target(%dma_start3A_36 : memref<128x128xf32, #tpu.memory_space<vmem_shared>>) target_semaphore(%run_scoped3A : memref<!tpu.dma_semaphore, #tpu.memory_space<semaphore_mem>>)
        %dma_wait3A = arith.constant 0 : i32
        %dma_wait3A_37 = tpu.memref_slice %arg9[%add3A_32, %dma_wait3A] : memref<10240x128xf32, #tpu.memory_space<vmem_shared>> -> memref<128x128xf32, #tpu.memory_space<vmem_shared>>
        %dma_wait3A_38 = arith.constant 0 : i32
        %dma_wait3A_39 = tpu.memref_slice %arg9[%add3A_32, %dma_wait3A_38] : memref<10240x128xf32, #tpu.memory_space<vmem_shared>> -> memref<128x128xf32, #tpu.memory_space<vmem_shared>>
        tpu.wait_dma2 semaphore(%run_scoped3A : memref<!tpu.dma_semaphore, #tpu.memory_space<semaphore_mem>>) src(%arg8 : memref<128x128xf32, #tpu.memory_space<vmem>>) dst(%dma_wait3A_39 : memref<128x128xf32, #tpu.memory_space<vmem_shared>>)
        tpu.yield
      }) : () -> ()
      %scan3A_33 = arith.constant 0 : i32
      scf.yield %scan3A_33 : i32
    }
    %scan3A_13 = arith.constant 5 : i32
    %barrier3A = arith.constant 0 : index
    tpu.barrier barrier_id(%barrier3A)
    "tpu.region"() ({
      %run_scoped3A = tpu.sem_alloc : memref<!tpu.dma_semaphore, #tpu.memory_space<semaphore_mem>>
      %dma_start3A = arith.constant 0 : i32
      %dma_start3A_26 = arith.constant 0 : i32
      %dma_start3A_27 = tpu.memref_slice %arg3[%add3A, %dma_start3A, %dma_start3A_26] : memref<32x80x128xi32, #tpu.memory_space<hbm>> -> memref<1x80x128xi32, #tpu.memory_space<hbm>>
      %dma_start3A_28 = tpu.memref_squeeze %dma_start3A_27 : memref<1x80x128xi32, #tpu.memory_space<hbm>> -> memref<80x128xi32, #tpu.memory_space<hbm>>
      %dma_start3A_29 = arith.constant 0 : i32
      %dma_start3A_30 = arith.constant 0 : i32
      %dma_start3A_31 = tpu.memref_slice %arg3[%add3A, %dma_start3A_29, %dma_start3A_30] : memref<32x80x128xi32, #tpu.memory_space<hbm>> -> memref<1x80x128xi32, #tpu.memory_space<hbm>>
      %dma_start3A_32 = tpu.memref_squeeze %dma_start3A_31 : memref<1x80x128xi32, #tpu.memory_space<hbm>> -> memref<80x128xi32, #tpu.memory_space<hbm>>
      tpu.enqueue_dma source(%dma_start3A_32 : memref<80x128xi32, #tpu.memory_space<hbm>>) target(%arg6 : memref<80x128xi32, #tpu.memory_space<vmem>>) target_semaphore(%run_scoped3A : memref<!tpu.dma_semaphore, #tpu.memory_space<semaphore_mem>>)
      %dma_wait3A = arith.constant 0 : i32
      %dma_wait3A_33 = arith.constant 0 : i32
      %dma_wait3A_34 = tpu.memref_slice %arg3[%add3A, %dma_wait3A, %dma_wait3A_33] : memref<32x80x128xi32, #tpu.memory_space<hbm>> -> memref<1x80x128xi32, #tpu.memory_space<hbm>>
      %dma_wait3A_35 = tpu.memref_squeeze %dma_wait3A_34 : memref<1x80x128xi32, #tpu.memory_space<hbm>> -> memref<80x128xi32, #tpu.memory_space<hbm>>
      %dma_wait3A_36 = arith.constant 0 : i32
      %dma_wait3A_37 = arith.constant 0 : i32
      %dma_wait3A_38 = tpu.memref_slice %arg3[%add3A, %dma_wait3A_36, %dma_wait3A_37] : memref<32x80x128xi32, #tpu.memory_space<hbm>> -> memref<1x80x128xi32, #tpu.memory_space<hbm>>
      %dma_wait3A_39 = tpu.memref_squeeze %dma_wait3A_38 : memref<1x80x128xi32, #tpu.memory_space<hbm>> -> memref<80x128xi32, #tpu.memory_space<hbm>>
      tpu.wait_dma2 semaphore(%run_scoped3A : memref<!tpu.dma_semaphore, #tpu.memory_space<semaphore_mem>>) src(%dma_wait3A_39 : memref<80x128xi32, #tpu.memory_space<hbm>>) dst(%arg6 : memref<80x128xi32, #tpu.memory_space<vmem>>)
      tpu.yield
    }) : () -> ()
    "tpu.region"() ({
      %run_scoped3A = tpu.sem_alloc : memref<!tpu.dma_semaphore, #tpu.memory_space<semaphore_mem>>
      %dma_start3A = arith.constant 0 : i32
      %dma_start3A_26 = arith.constant 0 : i32
      %dma_start3A_27 = tpu.memref_slice %arg4[%add3A, %dma_start3A, %dma_start3A_26] : memref<32x80x128xi32, #tpu.memory_space<hbm>> -> memref<1x80x128xi32, #tpu.memory_space<hbm>>
      %dma_start3A_28 = tpu.memref_squeeze %dma_start3A_27 : memref<1x80x128xi32, #tpu.memory_space<hbm>> -> memref<80x128xi32, #tpu.memory_space<hbm>>
      %dma_start3A_29 = arith.constant 0 : i32
      %dma_start3A_30 = arith.constant 0 : i32
      %dma_start3A_31 = tpu.memref_slice %arg4[%add3A, %dma_start3A_29, %dma_start3A_30] : memref<32x80x128xi32, #tpu.memory_space<hbm>> -> memref<1x80x128xi32, #tpu.memory_space<hbm>>
      %dma_start3A_32 = tpu.memref_squeeze %dma_start3A_31 : memref<1x80x128xi32, #tpu.memory_space<hbm>> -> memref<80x128xi32, #tpu.memory_space<hbm>>
      tpu.enqueue_dma source(%dma_start3A_32 : memref<80x128xi32, #tpu.memory_space<hbm>>) target(%arg7 : memref<80x128xi32, #tpu.memory_space<vmem>>) target_semaphore(%run_scoped3A : memref<!tpu.dma_semaphore, #tpu.memory_space<semaphore_mem>>)
      %dma_wait3A = arith.constant 0 : i32
      %dma_wait3A_33 = arith.constant 0 : i32
      %dma_wait3A_34 = tpu.memref_slice %arg4[%add3A, %dma_wait3A, %dma_wait3A_33] : memref<32x80x128xi32, #tpu.memory_space<hbm>> -> memref<1x80x128xi32, #tpu.memory_space<hbm>>
      %dma_wait3A_35 = tpu.memref_squeeze %dma_wait3A_34 : memref<1x80x128xi32, #tpu.memory_space<hbm>> -> memref<80x128xi32, #tpu.memory_space<hbm>>
      %dma_wait3A_36 = arith.constant 0 : i32
      %dma_wait3A_37 = arith.constant 0 : i32
      %dma_wait3A_38 = tpu.memref_slice %arg4[%add3A, %dma_wait3A_36, %dma_wait3A_37] : memref<32x80x128xi32, #tpu.memory_space<hbm>> -> memref<1x80x128xi32, #tpu.memory_space<hbm>>
      %dma_wait3A_39 = tpu.memref_squeeze %dma_wait3A_38 : memref<1x80x128xi32, #tpu.memory_space<hbm>> -> memref<80x128xi32, #tpu.memory_space<hbm>>
      tpu.wait_dma2 semaphore(%run_scoped3A : memref<!tpu.dma_semaphore, #tpu.memory_space<semaphore_mem>>) src(%dma_wait3A_39 : memref<80x128xi32, #tpu.memory_space<hbm>>) dst(%arg7 : memref<80x128xi32, #tpu.memory_space<vmem>>)
      tpu.yield
    }) : () -> ()
    %scan3A_14 = arith.constant 0 : i32
    %scan3A_15 = arith.constant 0 : i32
    %scan3A_16 = arith.constant 80 : i32
    %scan3A_17 = arith.addi %scan3A_15, %scan3A_16 : i32
    %scan3A_18 = arith.constant 1 : i32
    %scan3A_19 = scf.for %scan3A_26 = %scan3A_15 to %scan3A_17 step %scan3A_18 iter_args(%scan3A_27 = %scan3A_14) -> (i32)  : i32 {
      "tpu.region"() ({
        %run_scoped3A = tpu.sem_alloc : memref<!tpu.dma_semaphore, #tpu.memory_space<semaphore_mem>>
        %dma_start3A = arith.constant 0 : i32
        %dma_start3A_29 = tpu.memref_slice %arg6[%scan3A_26, %dma_start3A] : memref<80x128xi32, #tpu.memory_space<vmem>> -> memref<1x128xi32, #tpu.memory_space<vmem>>
        %dma_start3A_30 = tpu.memref_squeeze %dma_start3A_29 : memref<1x128xi32, #tpu.memory_space<vmem>> -> memref<128xi32, #tpu.memory_space<vmem>>
        %dma_start3A_31 = arith.constant 0 : i32
        %dma_start3A_32 = arith.constant 0 : i32
        %dma_start3A_33 = tpu.memref_slice %arg2[%dma_start3A_31, %dma_start3A_32] : memref<10240x128xf32, #tpu.memory_space<hbm>> -> memref<10240x128xf32, #tpu.memory_space<hbm>>
        tpu.enqueue_indirect_dma source(%dma_start3A_33 : memref<10240x128xf32, #tpu.memory_space<hbm>>) target(%arg8 : memref<128x128xf32, #tpu.memory_space<vmem>>) offsets(%dma_start3A_30 : memref<128xi32, #tpu.memory_space<vmem>>) semaphore(%run_scoped3A : memref<!tpu.dma_semaphore, #tpu.memory_space<semaphore_mem>>)
        %dma_wait3A = arith.constant 0 : i32
        %dma_wait3A_34 = tpu.memref_slice %arg6[%scan3A_26, %dma_wait3A] : memref<80x128xi32, #tpu.memory_space<vmem>> -> memref<1x128xi32, #tpu.memory_space<vmem>>
        %dma_wait3A_35 = tpu.memref_squeeze %dma_wait3A_34 : memref<1x128xi32, #tpu.memory_space<vmem>> -> memref<128xi32, #tpu.memory_space<vmem>>
        %dma_wait3A_36 = arith.constant 0 : i32
        %dma_wait3A_37 = arith.constant 0 : i32
        %dma_wait3A_38 = tpu.memref_slice %arg2[%dma_wait3A_36, %dma_wait3A_37] : memref<10240x128xf32, #tpu.memory_space<hbm>> -> memref<10240x128xf32, #tpu.memory_space<hbm>>
        tpu.wait_indirect_dma semaphore(%run_scoped3A : memref<!tpu.dma_semaphore, #tpu.memory_space<semaphore_mem>>) src(%dma_wait3A_38 : memref<10240x128xf32, #tpu.memory_space<hbm>>) dst(%arg8 : memref<128x128xf32, #tpu.memory_space<vmem>>)
        tpu.yield
      }) : () -> ()
      "tpu.region"() ({
        %run_scoped3A = tpu.sem_alloc : memref<!tpu.dma_semaphore, #tpu.memory_space<semaphore_mem>>
        %dma_start3A = arith.constant 0 : i32
        %dma_start3A_29 = tpu.memref_slice %arg7[%scan3A_26, %dma_start3A] : memref<80x128xi32, #tpu.memory_space<vmem>> -> memref<1x128xi32, #tpu.memory_space<vmem>>
        %dma_start3A_30 = tpu.memref_squeeze %dma_start3A_29 : memref<1x128xi32, #tpu.memory_space<vmem>> -> memref<128xi32, #tpu.memory_space<vmem>>
        %dma_start3A_31 = arith.constant 0 : i32
        %dma_start3A_32 = arith.constant 0 : i32
        %dma_start3A_33 = tpu.memref_slice %arg9[%dma_start3A_31, %dma_start3A_32] : memref<10240x128xf32, #tpu.memory_space<vmem_shared>> -> memref<10240x128xf32, #tpu.memory_space<vmem_shared>>
        tpu.enqueue_indirect_dma source(%arg8 : memref<128x128xf32, #tpu.memory_space<vmem>>) target(%dma_start3A_33 : memref<10240x128xf32, #tpu.memory_space<vmem_shared>>) offsets(%dma_start3A_30 : memref<128xi32, #tpu.memory_space<vmem>>) semaphore(%run_scoped3A : memref<!tpu.dma_semaphore, #tpu.memory_space<semaphore_mem>>) {add = true}
        %dma_wait3A = arith.constant 0 : i32
        %dma_wait3A_34 = tpu.memref_slice %arg7[%scan3A_26, %dma_wait3A] : memref<80x128xi32, #tpu.memory_space<vmem>> -> memref<1x128xi32, #tpu.memory_space<vmem>>
        %dma_wait3A_35 = tpu.memref_squeeze %dma_wait3A_34 : memref<1x128xi32, #tpu.memory_space<vmem>> -> memref<128xi32, #tpu.memory_space<vmem>>
        %dma_wait3A_36 = arith.constant 0 : i32
        %dma_wait3A_37 = arith.constant 0 : i32
        %dma_wait3A_38 = tpu.memref_slice %arg9[%dma_wait3A_36, %dma_wait3A_37] : memref<10240x128xf32, #tpu.memory_space<vmem_shared>> -> memref<10240x128xf32, #tpu.memory_space<vmem_shared>>
        tpu.wait_indirect_dma semaphore(%run_scoped3A : memref<!tpu.dma_semaphore, #tpu.memory_space<semaphore_mem>>) src(%arg8 : memref<128x128xf32, #tpu.memory_space<vmem>>) dst(%dma_wait3A_38 : memref<10240x128xf32, #tpu.memory_space<vmem_shared>>)
        tpu.yield
      }) : () -> ()
      %scan3A_28 = arith.constant 0 : i32
      scf.yield %scan3A_28 : i32
    }
    %scan3A_20 = arith.constant 80 : i32
    %barrier3A_21 = arith.constant 0 : index
    tpu.barrier barrier_id(%barrier3A_21)
    %mul3A_22 = arith.constant 640 : i32
    %mul3A_23 = arith.muli %arg1, %mul3A_22 : i32
    %mul3A_24 = arith.constant 640 : i32
    %mul3A_25 = arith.muli %arg1, %mul3A_24 : i32
    "tpu.region"() ({
      %run_scoped3A = tpu.sem_alloc : memref<!tpu.dma_semaphore, #tpu.memory_space<semaphore_mem>>
      %dma_start3A = arith.constant 0 : i32
      %dma_start3A_26 = tpu.memref_slice %arg5[%arg0, %mul3A_25, %dma_start3A] : memref<2x10240x128xf32, #tpu.memory_space<hbm>> -> memref<1x640x128xf32, #tpu.memory_space<hbm>>
      %dma_start3A_27 = tpu.memref_squeeze %dma_start3A_26 : memref<1x640x128xf32, #tpu.memory_space<hbm>> -> memref<640x128xf32, #tpu.memory_space<hbm>>
      %dma_start3A_28 = arith.constant 0 : i32
      %dma_start3A_29 = tpu.memref_slice %arg9[%mul3A_23, %dma_start3A_28] : memref<10240x128xf32, #tpu.memory_space<vmem_shared>> -> memref<640x128xf32, #tpu.memory_space<vmem_shared>>
      tpu.enqueue_dma source(%dma_start3A_29 : memref<640x128xf32, #tpu.memory_space<vmem_shared>>) target(%dma_start3A_27 : memref<640x128xf32, #tpu.memory_space<hbm>>) target_semaphore(%run_scoped3A : memref<!tpu.dma_semaphore, #tpu.memory_space<semaphore_mem>>)
      %dma_wait3A = arith.constant 0 : i32
      %dma_wait3A_30 = tpu.memref_slice %arg5[%arg0, %mul3A_25, %dma_wait3A] : memref<2x10240x128xf32, #tpu.memory_space<hbm>> -> memref<1x640x128xf32, #tpu.memory_space<hbm>>
      %dma_wait3A_31 = tpu.memref_squeeze %dma_wait3A_30 : memref<1x640x128xf32, #tpu.memory_space<hbm>> -> memref<640x128xf32, #tpu.memory_space<hbm>>
      %dma_wait3A_32 = arith.constant 0 : i32
      %dma_wait3A_33 = tpu.memref_slice %arg9[%mul3A_23, %dma_wait3A_32] : memref<10240x128xf32, #tpu.memory_space<vmem_shared>> -> memref<640x128xf32, #tpu.memory_space<vmem_shared>>
      tpu.wait_dma2 semaphore(%run_scoped3A : memref<!tpu.dma_semaphore, #tpu.memory_space<semaphore_mem>>) src(%dma_wait3A_33 : memref<640x128xf32, #tpu.memory_space<vmem_shared>>) dst(%dma_wait3A_31 : memref<640x128xf32, #tpu.memory_space<hbm>>)
      tpu.yield
    }) : () -> ()
    return
  }
}

#map = affine_map<(d0, d1) -> (0, 0)>
#map1 = affine_map<(d0, d1) -> (0, 0, 0)>
module attributes {stable_mosaic.version = 14 : i64} {
  func.func @_sc_scatter(%arg0: i32, %arg1: i32, %arg2: memref<10240x128xf32, #tpu.memory_space<hbm>>, %arg3: memref<32x80x128xi32, #tpu.memory_space<hbm>>, %arg4: memref<32x80x128xi32, #tpu.memory_space<hbm>>, %arg5: memref<2x10240x128xf32, #tpu.memory_space<hbm>>, %arg6: memref<80x128xi32, #tpu.memory_space<vmem>>, %arg7: memref<80x128xi32, #tpu.memory_space<vmem>>, %arg8: memref<128x128xf32, #tpu.memory_space<vmem>>, %arg9: memref<10240x128xf32, #tpu.memory_space<vmem_shared>>) attributes {dimension_semantics = [#tpu.dimension_semantics<core_parallel>, #tpu.dimension_semantics<subcore_parallel>], iteration_bounds = array<i64: 2, 16>, scalar_prefetch = 0 : i64, scratch_operands = 4 : i64, tpu.core_type = #tpu.core_type<sc_vector_subcore>, window_params = [{transform_indices = #map}, {transform_indices = #map1}, {transform_indices = #map1}, {transform_indices = #map1}]} {
    %mul3A = arith.constant 2 : i32
    %mul3A_0 = arith.muli %arg1, %mul3A : i32
    %add3A = arith.addi %mul3A_0, %arg0 : i32
    %scan3A = arith.constant 0 : i32
    %scan3A_1 = arith.constant 0 : i32
    %scan3A_2 = arith.constant 128 : i32
    %scan3A_3 = arith.addi %scan3A_1, %scan3A_2 : i32
    %scan3A_4 = arith.constant 1 : i32
    %scan3A_5 = scf.for %scan3A_26 = %scan3A_1 to %scan3A_3 step %scan3A_4 iter_args(%scan3A_27 = %scan3A) -> (i32)  : i32 {
      %broadcast_in_dim3A = arith.constant 0.000000e+00 : f32
      %broadcast_in_dim3A_28 = vector.broadcast %broadcast_in_dim3A : f32 to vector<16xf32>
      %swap3A = arith.index_cast %scan3A_26 : i32 to index
      %swap3A_29 = arith.constant 0 : index
      %swap3A_30 = tpu.vector_load %arg8[%swap3A, %swap3A_29] {strides = array<i32>} : memref<128x128xf32, #tpu.memory_space<vmem>>, vector<1x16xf32>,
      %swap3A_31 = vector.shape_cast %swap3A_30 : vector<1x16xf32> to vector<16xf32>
      %swap3A_32 = vector.shape_cast %broadcast_in_dim3A_28 : vector<16xf32> to vector<1x16xf32>
      tpu.vector_store %arg8[%swap3A, %swap3A_29], %swap3A_32 {strides = array<i32>} : memref<128x128xf32, #tpu.memory_space<vmem>>, vector<1x16xf32>,
      %broadcast_in_dim3A_33 = arith.constant 0.000000e+00 : f32
      %broadcast_in_dim3A_34 = vector.broadcast %broadcast_in_dim3A_33 : f32 to vector<16xf32>
      %swap3A_35 = arith.index_cast %scan3A_26 : i32 to index
      %swap3A_36 = arith.constant 16 : index
      %swap3A_37 = tpu.vector_load %arg8[%swap3A_35, %swap3A_36] {strides = array<i32>} : memref<128x128xf32, #tpu.memory_space<vmem>>, vector<1x16xf32>,
      %swap3A_38 = vector.shape_cast %swap3A_37 : vector<1x16xf32> to vector<16xf32>
      %swap3A_39 = vector.shape_cast %broadcast_in_dim3A_34 : vector<16xf32> to vector<1x16xf32>
      tpu.vector_store %arg8[%swap3A_35, %swap3A_36], %swap3A_39 {strides = array<i32>} : memref<128x128xf32, #tpu.memory_space<vmem>>, vector<1x16xf32>,
      %broadcast_in_dim3A_40 = arith.constant 0.000000e+00 : f32
      %broadcast_in_dim3A_41 = vector.broadcast %broadcast_in_dim3A_40 : f32 to vector<16xf32>
      %swap3A_42 = arith.index_cast %scan3A_26 : i32 to index
      %swap3A_43 = arith.constant 32 : index
      %swap3A_44 = tpu.vector_load %arg8[%swap3A_42, %swap3A_43] {strides = array<i32>} : memref<128x128xf32, #tpu.memory_space<vmem>>, vector<1x16xf32>,
      %swap3A_45 = vector.shape_cast %swap3A_44 : vector<1x16xf32> to vector<16xf32>
      %swap3A_46 = vector.shape_cast %broadcast_in_dim3A_41 : vector<16xf32> to vector<1x16xf32>
      tpu.vector_store %arg8[%swap3A_42, %swap3A_43], %swap3A_46 {strides = array<i32>} : memref<128x128xf32, #tpu.memory_space<vmem>>, vector<1x16xf32>,
      %broadcast_in_dim3A_47 = arith.constant 0.000000e+00 : f32
      %broadcast_in_dim3A_48 = vector.broadcast %broadcast_in_dim3A_47 : f32 to vector<16xf32>
      %swap3A_49 = arith.index_cast %scan3A_26 : i32 to index
      %swap3A_50 = arith.constant 48 : index
      %swap3A_51 = tpu.vector_load %arg8[%swap3A_49, %swap3A_50] {strides = array<i32>} : memref<128x128xf32, #tpu.memory_space<vmem>>, vector<1x16xf32>,
      %swap3A_52 = vector.shape_cast %swap3A_51 : vector<1x16xf32> to vector<16xf32>
      %swap3A_53 = vector.shape_cast %broadcast_in_dim3A_48 : vector<16xf32> to vector<1x16xf32>
      tpu.vector_store %arg8[%swap3A_49, %swap3A_50], %swap3A_53 {strides = array<i32>} : memref<128x128xf32, #tpu.memory_space<vmem>>, vector<1x16xf32>,
      %broadcast_in_dim3A_54 = arith.constant 0.000000e+00 : f32
      %broadcast_in_dim3A_55 = vector.broadcast %broadcast_in_dim3A_54 : f32 to vector<16xf32>
      %swap3A_56 = arith.index_cast %scan3A_26 : i32 to index
      %swap3A_57 = arith.constant 64 : index
      %swap3A_58 = tpu.vector_load %arg8[%swap3A_56, %swap3A_57] {strides = array<i32>} : memref<128x128xf32, #tpu.memory_space<vmem>>, vector<1x16xf32>,
      %swap3A_59 = vector.shape_cast %swap3A_58 : vector<1x16xf32> to vector<16xf32>
      %swap3A_60 = vector.shape_cast %broadcast_in_dim3A_55 : vector<16xf32> to vector<1x16xf32>
      tpu.vector_store %arg8[%swap3A_56, %swap3A_57], %swap3A_60 {strides = array<i32>} : memref<128x128xf32, #tpu.memory_space<vmem>>, vector<1x16xf32>,
      %broadcast_in_dim3A_61 = arith.constant 0.000000e+00 : f32
      %broadcast_in_dim3A_62 = vector.broadcast %broadcast_in_dim3A_61 : f32 to vector<16xf32>
      %swap3A_63 = arith.index_cast %scan3A_26 : i32 to index
      %swap3A_64 = arith.constant 80 : index
      %swap3A_65 = tpu.vector_load %arg8[%swap3A_63, %swap3A_64] {strides = array<i32>} : memref<128x128xf32, #tpu.memory_space<vmem>>, vector<1x16xf32>,
      %swap3A_66 = vector.shape_cast %swap3A_65 : vector<1x16xf32> to vector<16xf32>
      %swap3A_67 = vector.shape_cast %broadcast_in_dim3A_62 : vector<16xf32> to vector<1x16xf32>
      tpu.vector_store %arg8[%swap3A_63, %swap3A_64], %swap3A_67 {strides = array<i32>} : memref<128x128xf32, #tpu.memory_space<vmem>>, vector<1x16xf32>,
      %broadcast_in_dim3A_68 = arith.constant 0.000000e+00 : f32
      %broadcast_in_dim3A_69 = vector.broadcast %broadcast_in_dim3A_68 : f32 to vector<16xf32>
      %swap3A_70 = arith.index_cast %scan3A_26 : i32 to index
      %swap3A_71 = arith.constant 96 : index
      %swap3A_72 = tpu.vector_load %arg8[%swap3A_70, %swap3A_71] {strides = array<i32>} : memref<128x128xf32, #tpu.memory_space<vmem>>, vector<1x16xf32>,
      %swap3A_73 = vector.shape_cast %swap3A_72 : vector<1x16xf32> to vector<16xf32>
      %swap3A_74 = vector.shape_cast %broadcast_in_dim3A_69 : vector<16xf32> to vector<1x16xf32>
      tpu.vector_store %arg8[%swap3A_70, %swap3A_71], %swap3A_74 {strides = array<i32>} : memref<128x128xf32, #tpu.memory_space<vmem>>, vector<1x16xf32>,
      %broadcast_in_dim3A_75 = arith.constant 0.000000e+00 : f32
      %broadcast_in_dim3A_76 = vector.broadcast %broadcast_in_dim3A_75 : f32 to vector<16xf32>
      %swap3A_77 = arith.index_cast %scan3A_26 : i32 to index
      %swap3A_78 = arith.constant 112 : index
      %swap3A_79 = tpu.vector_load %arg8[%swap3A_77, %swap3A_78] {strides = array<i32>} : memref<128x128xf32, #tpu.memory_space<vmem>>, vector<1x16xf32>,
      %swap3A_80 = vector.shape_cast %swap3A_79 : vector<1x16xf32> to vector<16xf32>
      %swap3A_81 = vector.shape_cast %broadcast_in_dim3A_76 : vector<16xf32> to vector<1x16xf32>
      tpu.vector_store %arg8[%swap3A_77, %swap3A_78], %swap3A_81 {strides = array<i32>} : memref<128x128xf32, #tpu.memory_space<vmem>>, vector<1x16xf32>,
      %scan3A_82 = arith.constant 0 : i32
      scf.yield %scan3A_82 : i32
    }
    %scan3A_6 = arith.constant 128 : i32
    %scan3A_7 = arith.constant 0 : i32
    %scan3A_8 = arith.constant 0 : i32
    %scan3A_9 = arith.constant 5 : i32
    %scan3A_10 = arith.addi %scan3A_8, %scan3A_9 : i32
    %scan3A_11 = arith.constant 1 : i32
    %scan3A_12 = scf.for %scan3A_26 = %scan3A_8 to %scan3A_10 step %scan3A_11 iter_args(%scan3A_27 = %scan3A_7) -> (i32)  : i32 {
      %mul3A_28 = arith.constant 640 : i32
      %mul3A_29 = arith.muli %arg1, %mul3A_28 : i32
      %mul3A_30 = arith.constant 128 : i32
      %mul3A_31 = arith.muli %scan3A_26, %mul3A_30 : i32
      %add3A_32 = arith.addi %mul3A_29, %mul3A_31 : i32
      "tpu.region"() ({
        %run_scoped3A = tpu.sem_alloc : memref<!tpu.dma_semaphore, #tpu.memory_space<semaphore_mem>>
        %dma_start3A = arith.constant 0 : i32
        %dma_start3A_34 = tpu.memref_slice %arg9[%add3A_32, %dma_start3A] : memref<10240x128xf32, #tpu.memory_space<vmem_shared>> -> memref<128x128xf32, #tpu.memory_space<vmem_shared>>
        %dma_start3A_35 = arith.constant 0 : i32
        %dma_start3A_36 = tpu.memref_slice %arg9[%add3A_32, %dma_start3A_35] : memref<10240x128xf32, #tpu.memory_space<vmem_shared>> -> memref<128x128xf32, #tpu.memory_space<vmem_shared>>
        tpu.enqueue_dma source(%arg8 : memref<128x128xf32, #tpu.memory_space<vmem>>) target(%dma_start3A_36 : memref<128x128xf32, #tpu.memory_space<vmem_shared>>) target_semaphore(%run_scoped3A : memref<!tpu.dma_semaphore, #tpu.memory_space<semaphore_mem>>)
        %dma_wait3A = arith.constant 0 : i32
        %dma_wait3A_37 = tpu.memref_slice %arg9[%add3A_32, %dma_wait3A] : memref<10240x128xf32, #tpu.memory_space<vmem_shared>> -> memref<128x128xf32, #tpu.memory_space<vmem_shared>>
        %dma_wait3A_38 = arith.constant 0 : i32
        %dma_wait3A_39 = tpu.memref_slice %arg9[%add3A_32, %dma_wait3A_38] : memref<10240x128xf32, #tpu.memory_space<vmem_shared>> -> memref<128x128xf32, #tpu.memory_space<vmem_shared>>
        tpu.wait_dma2 semaphore(%run_scoped3A : memref<!tpu.dma_semaphore, #tpu.memory_space<semaphore_mem>>) src(%arg8 : memref<128x128xf32, #tpu.memory_space<vmem>>) dst(%dma_wait3A_39 : memref<128x128xf32, #tpu.memory_space<vmem_shared>>)
        tpu.yield
      }) : () -> ()
      %scan3A_33 = arith.constant 0 : i32
      scf.yield %scan3A_33 : i32
    }
    %scan3A_13 = arith.constant 5 : i32
    %barrier3A = arith.constant 0 : index
    tpu.barrier barrier_id(%barrier3A)
    "tpu.region"() ({
      %run_scoped3A = tpu.sem_alloc : memref<!tpu.dma_semaphore, #tpu.memory_space<semaphore_mem>>
      %dma_start3A = arith.constant 0 : i32
      %dma_start3A_26 = arith.constant 0 : i32
      %dma_start3A_27 = tpu.memref_slice %arg3[%add3A, %dma_start3A, %dma_start3A_26] : memref<32x80x128xi32, #tpu.memory_space<hbm>> -> memref<1x80x128xi32, #tpu.memory_space<hbm>>
      %dma_start3A_28 = tpu.memref_squeeze %dma_start3A_27 : memref<1x80x128xi32, #tpu.memory_space<hbm>> -> memref<80x128xi32, #tpu.memory_space<hbm>>
      %dma_start3A_29 = arith.constant 0 : i32
      %dma_start3A_30 = arith.constant 0 : i32
      %dma_start3A_31 = tpu.memref_slice %arg3[%add3A, %dma_start3A_29, %dma_start3A_30] : memref<32x80x128xi32, #tpu.memory_space<hbm>> -> memref<1x80x128xi32, #tpu.memory_space<hbm>>
      %dma_start3A_32 = tpu.memref_squeeze %dma_start3A_31 : memref<1x80x128xi32, #tpu.memory_space<hbm>> -> memref<80x128xi32, #tpu.memory_space<hbm>>
      tpu.enqueue_dma source(%dma_start3A_32 : memref<80x128xi32, #tpu.memory_space<hbm>>) target(%arg6 : memref<80x128xi32, #tpu.memory_space<vmem>>) target_semaphore(%run_scoped3A : memref<!tpu.dma_semaphore, #tpu.memory_space<semaphore_mem>>)
      %dma_wait3A = arith.constant 0 : i32
      %dma_wait3A_33 = arith.constant 0 : i32
      %dma_wait3A_34 = tpu.memref_slice %arg3[%add3A, %dma_wait3A, %dma_wait3A_33] : memref<32x80x128xi32, #tpu.memory_space<hbm>> -> memref<1x80x128xi32, #tpu.memory_space<hbm>>
      %dma_wait3A_35 = tpu.memref_squeeze %dma_wait3A_34 : memref<1x80x128xi32, #tpu.memory_space<hbm>> -> memref<80x128xi32, #tpu.memory_space<hbm>>
      %dma_wait3A_36 = arith.constant 0 : i32
      %dma_wait3A_37 = arith.constant 0 : i32
      %dma_wait3A_38 = tpu.memref_slice %arg3[%add3A, %dma_wait3A_36, %dma_wait3A_37] : memref<32x80x128xi32, #tpu.memory_space<hbm>> -> memref<1x80x128xi32, #tpu.memory_space<hbm>>
      %dma_wait3A_39 = tpu.memref_squeeze %dma_wait3A_38 : memref<1x80x128xi32, #tpu.memory_space<hbm>> -> memref<80x128xi32, #tpu.memory_space<hbm>>
      tpu.wait_dma2 semaphore(%run_scoped3A : memref<!tpu.dma_semaphore, #tpu.memory_space<semaphore_mem>>) src(%dma_wait3A_39 : memref<80x128xi32, #tpu.memory_space<hbm>>) dst(%arg6 : memref<80x128xi32, #tpu.memory_space<vmem>>)
      tpu.yield
    }) : () -> ()
    "tpu.region"() ({
      %run_scoped3A = tpu.sem_alloc : memref<!tpu.dma_semaphore, #tpu.memory_space<semaphore_mem>>
      %dma_start3A = arith.constant 0 : i32
      %dma_start3A_26 = arith.constant 0 : i32
      %dma_start3A_27 = tpu.memref_slice %arg4[%add3A, %dma_start3A, %dma_start3A_26] : memref<32x80x128xi32, #tpu.memory_space<hbm>> -> memref<1x80x128xi32, #tpu.memory_space<hbm>>
      %dma_start3A_28 = tpu.memref_squeeze %dma_start3A_27 : memref<1x80x128xi32, #tpu.memory_space<hbm>> -> memref<80x128xi32, #tpu.memory_space<hbm>>
      %dma_start3A_29 = arith.constant 0 : i32
      %dma_start3A_30 = arith.constant 0 : i32
      %dma_start3A_31 = tpu.memref_slice %arg4[%add3A, %dma_start3A_29, %dma_start3A_30] : memref<32x80x128xi32, #tpu.memory_space<hbm>> -> memref<1x80x128xi32, #tpu.memory_space<hbm>>
      %dma_start3A_32 = tpu.memref_squeeze %dma_start3A_31 : memref<1x80x128xi32, #tpu.memory_space<hbm>> -> memref<80x128xi32, #tpu.memory_space<hbm>>
      tpu.enqueue_dma source(%dma_start3A_32 : memref<80x128xi32, #tpu.memory_space<hbm>>) target(%arg7 : memref<80x128xi32, #tpu.memory_space<vmem>>) target_semaphore(%run_scoped3A : memref<!tpu.dma_semaphore, #tpu.memory_space<semaphore_mem>>)
      %dma_wait3A = arith.constant 0 : i32
      %dma_wait3A_33 = arith.constant 0 : i32
      %dma_wait3A_34 = tpu.memref_slice %arg4[%add3A, %dma_wait3A, %dma_wait3A_33] : memref<32x80x128xi32, #tpu.memory_space<hbm>> -> memref<1x80x128xi32, #tpu.memory_space<hbm>>
      %dma_wait3A_35 = tpu.memref_squeeze %dma_wait3A_34 : memref<1x80x128xi32, #tpu.memory_space<hbm>> -> memref<80x128xi32, #tpu.memory_space<hbm>>
      %dma_wait3A_36 = arith.constant 0 : i32
      %dma_wait3A_37 = arith.constant 0 : i32
      %dma_wait3A_38 = tpu.memref_slice %arg4[%add3A, %dma_wait3A_36, %dma_wait3A_37] : memref<32x80x128xi32, #tpu.memory_space<hbm>> -> memref<1x80x128xi32, #tpu.memory_space<hbm>>
      %dma_wait3A_39 = tpu.memref_squeeze %dma_wait3A_38 : memref<1x80x128xi32, #tpu.memory_space<hbm>> -> memref<80x128xi32, #tpu.memory_space<hbm>>
      tpu.wait_dma2 semaphore(%run_scoped3A : memref<!tpu.dma_semaphore, #tpu.memory_space<semaphore_mem>>) src(%dma_wait3A_39 : memref<80x128xi32, #tpu.memory_space<hbm>>) dst(%arg7 : memref<80x128xi32, #tpu.memory_space<vmem>>)
      tpu.yield
    }) : () -> ()
    %scan3A_14 = arith.constant 0 : i32
    %scan3A_15 = arith.constant 0 : i32
    %scan3A_16 = arith.constant 80 : i32
    %scan3A_17 = arith.addi %scan3A_15, %scan3A_16 : i32
    %scan3A_18 = arith.constant 1 : i32
    %scan3A_19 = scf.for %scan3A_26 = %scan3A_15 to %scan3A_17 step %scan3A_18 iter_args(%scan3A_27 = %scan3A_14) -> (i32)  : i32 {
      "tpu.region"() ({
        %run_scoped3A = tpu.sem_alloc : memref<!tpu.dma_semaphore, #tpu.memory_space<semaphore_mem>>
        %dma_start3A = arith.constant 0 : i32
        %dma_start3A_29 = tpu.memref_slice %arg6[%scan3A_26, %dma_start3A] : memref<80x128xi32, #tpu.memory_space<vmem>> -> memref<1x128xi32, #tpu.memory_space<vmem>>
        %dma_start3A_30 = tpu.memref_squeeze %dma_start3A_29 : memref<1x128xi32, #tpu.memory_space<vmem>> -> memref<128xi32, #tpu.memory_space<vmem>>
        %dma_start3A_31 = arith.constant 0 : i32
        %dma_start3A_32 = arith.constant 0 : i32
        %dma_start3A_33 = tpu.memref_slice %arg2[%dma_start3A_31, %dma_start3A_32] : memref<10240x128xf32, #tpu.memory_space<hbm>> -> memref<10240x128xf32, #tpu.memory_space<hbm>>
        tpu.enqueue_indirect_dma source(%dma_start3A_33 : memref<10240x128xf32, #tpu.memory_space<hbm>>) target(%arg8 : memref<128x128xf32, #tpu.memory_space<vmem>>) offsets(%dma_start3A_30 : memref<128xi32, #tpu.memory_space<vmem>>) semaphore(%run_scoped3A : memref<!tpu.dma_semaphore, #tpu.memory_space<semaphore_mem>>)
        %dma_wait3A = arith.constant 0 : i32
        %dma_wait3A_34 = tpu.memref_slice %arg6[%scan3A_26, %dma_wait3A] : memref<80x128xi32, #tpu.memory_space<vmem>> -> memref<1x128xi32, #tpu.memory_space<vmem>>
        %dma_wait3A_35 = tpu.memref_squeeze %dma_wait3A_34 : memref<1x128xi32, #tpu.memory_space<vmem>> -> memref<128xi32, #tpu.memory_space<vmem>>
        %dma_wait3A_36 = arith.constant 0 : i32
        %dma_wait3A_37 = arith.constant 0 : i32
        %dma_wait3A_38 = tpu.memref_slice %arg2[%dma_wait3A_36, %dma_wait3A_37] : memref<10240x128xf32, #tpu.memory_space<hbm>> -> memref<10240x128xf32, #tpu.memory_space<hbm>>
        tpu.wait_indirect_dma semaphore(%run_scoped3A : memref<!tpu.dma_semaphore, #tpu.memory_space<semaphore_mem>>) src(%dma_wait3A_38 : memref<10240x128xf32, #tpu.memory_space<hbm>>) dst(%arg8 : memref<128x128xf32, #tpu.memory_space<vmem>>)
        tpu.yield
      }) : () -> ()
      "tpu.region"() ({
        %run_scoped3A = tpu.sem_alloc : memref<!tpu.dma_semaphore, #tpu.memory_space<semaphore_mem>>
        %dma_start3A = arith.constant 0 : i32
        %dma_start3A_29 = tpu.memref_slice %arg7[%scan3A_26, %dma_start3A] : memref<80x128xi32, #tpu.memory_space<vmem>> -> memref<1x128xi32, #tpu.memory_space<vmem>>
        %dma_start3A_30 = tpu.memref_squeeze %dma_start3A_29 : memref<1x128xi32, #tpu.memory_space<vmem>> -> memref<128xi32, #tpu.memory_space<vmem>>
        %dma_start3A_31 = arith.constant 0 : i32
        %dma_start3A_32 = arith.constant 0 : i32
        %dma_start3A_33 = tpu.memref_slice %arg9[%dma_start3A_31, %dma_start3A_32] : memref<10240x128xf32, #tpu.memory_space<vmem_shared>> -> memref<10240x128xf32, #tpu.memory_space<vmem_shared>>
        tpu.enqueue_indirect_dma source(%arg8 : memref<128x128xf32, #tpu.memory_space<vmem>>) target(%dma_start3A_33 : memref<10240x128xf32, #tpu.memory_space<vmem_shared>>) offsets(%dma_start3A_30 : memref<128xi32, #tpu.memory_space<vmem>>) semaphore(%run_scoped3A : memref<!tpu.dma_semaphore, #tpu.memory_space<semaphore_mem>>) {add = true}
        %dma_wait3A = arith.constant 0 : i32
        %dma_wait3A_34 = tpu.memref_slice %arg7[%scan3A_26, %dma_wait3A] : memref<80x128xi32, #tpu.memory_space<vmem>> -> memref<1x128xi32, #tpu.memory_space<vmem>>
        %dma_wait3A_35 = tpu.memref_squeeze %dma_wait3A_34 : memref<1x128xi32, #tpu.memory_space<vmem>> -> memref<128xi32, #tpu.memory_space<vmem>>
        %dma_wait3A_36 = arith.constant 0 : i32
        %dma_wait3A_37 = arith.constant 0 : i32
        %dma_wait3A_38 = tpu.memref_slice %arg9[%dma_wait3A_36, %dma_wait3A_37] : memref<10240x128xf32, #tpu.memory_space<vmem_shared>> -> memref<10240x128xf32, #tpu.memory_space<vmem_shared>>
        tpu.wait_indirect_dma semaphore(%run_scoped3A : memref<!tpu.dma_semaphore, #tpu.memory_space<semaphore_mem>>) src(%arg8 : memref<128x128xf32, #tpu.memory_space<vmem>>) dst(%dma_wait3A_38 : memref<10240x128xf32, #tpu.memory_space<vmem_shared>>)
        tpu.yield
      }) : () -> ()
      %scan3A_28 = arith.constant 0 : i32
      scf.yield %scan3A_28 : i32
    }
    %scan3A_20 = arith.constant 80 : i32
    %barrier3A_21 = arith.constant 0 : index
    tpu.barrier barrier_id(%barrier3A_21)
    %mul3A_22 = arith.constant 640 : i32
    %mul3A_23 = arith.muli %arg1, %mul3A_22 : i32
    %mul3A_24 = arith.constant 640 : i32
    %mul3A_25 = arith.muli %arg1, %mul3A_24 : i32
    "tpu.region"() ({
      %run_scoped3A = tpu.sem_alloc : memref<!tpu.dma_semaphore, #tpu.memory_space<semaphore_mem>>
      %dma_start3A = arith.constant 0 : i32
      %dma_start3A_26 = tpu.memref_slice %arg5[%arg0, %mul3A_25, %dma_start3A] : memref<2x10240x128xf32, #tpu.memory_space<hbm>> -> memref<1x640x128xf32, #tpu.memory_space<hbm>>
      %dma_start3A_27 = tpu.memref_squeeze %dma_start3A_26 : memref<1x640x128xf32, #tpu.memory_space<hbm>> -> memref<640x128xf32, #tpu.memory_space<hbm>>
      %dma_start3A_28 = arith.constant 0 : i32
      %dma_start3A_29 = tpu.memref_slice %arg9[%mul3A_23, %dma_start3A_28] : memref<10240x128xf32, #tpu.memory_space<vmem_shared>> -> memref<640x128xf32, #tpu.memory_space<vmem_shared>>
      tpu.enqueue_dma source(%dma_start3A_29 : memref<640x128xf32, #tpu.memory_space<vmem_shared>>) target(%dma_start3A_27 : memref<640x128xf32, #tpu.memory_space<hbm>>) target_semaphore(%run_scoped3A : memref<!tpu.dma_semaphore, #tpu.memory_space<semaphore_mem>>)
      %dma_wait3A = arith.constant 0 : i32
      %dma_wait3A_30 = tpu.memref_slice %arg5[%arg0, %mul3A_25, %dma_wait3A] : memref<2x10240x128xf32, #tpu.memory_space<hbm>> -> memref<1x640x128xf32, #tpu.memory_space<hbm>>
      %dma_wait3A_31 = tpu.memref_squeeze %dma_wait3A_30 : memref<1x640x128xf32, #tpu.memory_space<hbm>> -> memref<640x128xf32, #tpu.memory_space<hbm>>
      %dma_wait3A_32 = arith.constant 0 : i32
      %dma_wait3A_33 = tpu.memref_slice %arg9[%mul3A_23, %dma_wait3A_32] : memref<10240x128xf32, #tpu.memory_space<vmem_shared>> -> memref<640x128xf32, #tpu.memory_space<vmem_shared>>
      tpu.wait_dma2 semaphore(%run_scoped3A : memref<!tpu.dma_semaphore, #tpu.memory_space<semaphore_mem>>) src(%dma_wait3A_33 : memref<640x128xf32, #tpu.memory_space<vmem_shared>>) dst(%dma_wait3A_31 : memref<640x128xf32, #tpu.memory_space<hbm>>)
      tpu.yield
    }) : () -> ()
    return
  }
}

module attributes {stable_mosaic.version = 14 : i64} {
  func.func @_tc_prep_body(%arg0: i32, %arg1: memref<2x1024x1xf32, #tpu.memory_space<vmem>>, %arg2: memref<1024x128xf32, #tpu.memory_space<vmem>>, %arg3: memref<128x128xf32, #tpu.memory_space<vmem>>, %arg4: memref<1024x128xf32, #tpu.memory_space<vmem>>, %arg5: memref<1024x1xf32, #tpu.memory_space<vmem>>) attributes {dimension_semantics = [#tpu.dimension_semantics<arbitrary>], iteration_bounds = array<i64: 10>, scalar_prefetch = 0 : i64, scratch_operands = 0 : i64, tpu.core_type = #tpu.core_type<tc>, window_params = [{transform_indices = @transform_0, window_bounds = array<i64: 2, 1024, 1>}, {transform_indices = @transform_1, window_bounds = array<i64: 1024, 128>}, {pipeline_mode = #tpu.pipeline_mode<synchronous>, transform_indices = @transform_2, window_bounds = array<i64: 128, 128>}, {transform_indices = @transform_3, window_bounds = array<i64: 1024, 128>}, {transform_indices = @transform_4, window_bounds = array<i64: 1024, 1>}]} {
    %get3A = arith.constant 0 : index
    %get3A_0 = arith.constant 0 : index
    %get3A_1 = arith.constant 0 : index
    %get3A_2 = vector.load %arg1[%get3A, %get3A_0, %get3A_1] : memref<2x1024x1xf32, #tpu.memory_space<vmem>>, vector<1x1024x1xf32>
    %get3A_3 = vector.shape_cast %get3A_2 : vector<1x1024x1xf32> to vector<1024x1xf32>
    %get3A_4 = arith.constant 1 : index
    %get3A_5 = arith.constant 0 : index
    %get3A_6 = arith.constant 0 : index
    %get3A_7 = vector.load %arg1[%get3A_4, %get3A_5, %get3A_6] : memref<2x1024x1xf32, #tpu.memory_space<vmem>>, vector<1x1024x1xf32>
    %get3A_8 = vector.shape_cast %get3A_7 : vector<1x1024x1xf32> to vector<1024x1xf32>
    %add3A = arith.addf %get3A_3, %get3A_8 : vector<1024x1xf32>
    %add3A_9 = arith.constant 1.000000e+00 : f32
    %add3A_10 = vector.broadcast %add3A_9 : f32 to vector<1024x1xf32>
    %add3A_11 = arith.addf %add3A, %add3A_10 : vector<1024x1xf32>
    %rsqrt3A = math.rsqrt %add3A_11 : vector<1024x1xf32>
    %swap3A = arith.constant 0 : index
    %swap3A_12 = arith.constant 0 : index
    %swap3A_13 = vector.load %arg5[%swap3A, %swap3A_12] : memref<1024x1xf32, #tpu.memory_space<vmem>>, vector<1024x1xf32>
    tpu.vector_store %arg5[%swap3A, %swap3A_12], %rsqrt3A {strides = array<i32>} : memref<1024x1xf32, #tpu.memory_space<vmem>>, vector<1024x1xf32>,
    %get3A_14 = arith.constant 0 : index
    %get3A_15 = arith.constant 0 : index
    %get3A_16 = vector.load %arg2[%get3A_14, %get3A_15] : memref<1024x128xf32, #tpu.memory_space<vmem>>, vector<1024x128xf32>
    %get3A_17 = arith.constant 0 : index
    %get3A_18 = arith.constant 0 : index
    %get3A_19 = vector.load %arg3[%get3A_17, %get3A_18] : memref<128x128xf32, #tpu.memory_space<vmem>>, vector<128x128xf32>
    %dot_general3A = arith.constant dense<0.000000e+00> : vector<1024x128xf32>
    %dot_general3A_20 = tpu.matmul %get3A_16, %get3A_19, %dot_general3A {dimension_numbers = #tpu.dot_dimension_numbers<[1], [0], [0], [1], [0, 0, 1, 1], [], []>, transpose_lhs_hint = false} : vector<1024x128xf32>, vector<128x128xf32>, vector<1024x128xf32> -> vector<1024x128xf32>
    %mul3A = vector.broadcast %rsqrt3A : vector<1024x1xf32> to vector<1024x128xf32>
    %mul3A_21 = arith.mulf %mul3A, %dot_general3A_20 : vector<1024x128xf32>
    %swap3A_22 = arith.constant 0 : index
    %swap3A_23 = arith.constant 0 : index
    %swap3A_24 = vector.load %arg4[%swap3A_22, %swap3A_23] : memref<1024x128xf32, #tpu.memory_space<vmem>>, vector<1024x128xf32>
    tpu.vector_store %arg4[%swap3A_22, %swap3A_23], %mul3A_21 {strides = array<i32>} : memref<1024x128xf32, #tpu.memory_space<vmem>>, vector<1024x128xf32>,
    return
  }
  func.func @transform_0(%arg0: i32) -> (i32, i32, i32) {
    %c0_i32 = arith.constant 0 : i32
    %c0_i32_0 = arith.constant 0 : i32
    %c0_i32_1 = arith.constant 0 : i32
    return %c0_i32, %arg0, %c0_i32_0 : i32, i32, i32
  }
  func.func @transform_1(%arg0: i32) -> (i32, i32) {
    %c0_i32 = arith.constant 0 : i32
    %c0_i32_0 = arith.constant 0 : i32
    return %arg0, %c0_i32 : i32, i32
  }
  func.func @transform_2(%arg0: i32) -> (i32, i32) {
    %c0_i32 = arith.constant 0 : i32
    %c0_i32_0 = arith.constant 0 : i32
    %c0_i32_1 = arith.constant 0 : i32
    return %c0_i32, %c0_i32_0 : i32, i32
  }
  func.func @transform_3(%arg0: i32) -> (i32, i32) {
    %c0_i32 = arith.constant 0 : i32
    %c0_i32_0 = arith.constant 0 : i32
    return %arg0, %c0_i32 : i32, i32
  }
  func.func @transform_4(%arg0: i32) -> (i32, i32) {
    %c0_i32 = arith.constant 0 : i32
    %c0_i32_0 = arith.constant 0 : i32
    return %arg0, %c0_i32 : i32, i32
  }
}

module attributes {stable_mosaic.version = 14 : i64} {
  func.func @_tc_combine_stats_body(%arg0: i32, %arg1: memref<2x1024x128xf32, #tpu.memory_space<vmem>>, %arg2: memref<1024x128xf32, #tpu.memory_space<vmem>>, %arg3: memref<1024x1xf32, #tpu.memory_space<vmem>>, %arg4: memref<1x128xf32, #tpu.memory_space<vmem>>, %arg5: memref<1024x128xf32, #tpu.memory_space<vmem>>, %arg6: memref<8x128xf32, #tpu.memory_space<vmem>>) attributes {dimension_semantics = [#tpu.dimension_semantics<arbitrary>], iteration_bounds = array<i64: 10>, scalar_prefetch = 0 : i64, scratch_operands = 0 : i64, tpu.core_type = #tpu.core_type<tc>, window_params = [{transform_indices = @transform_0, window_bounds = array<i64: 2, 1024, 128>}, {transform_indices = @transform_1, window_bounds = array<i64: 1024, 128>}, {transform_indices = @transform_2, window_bounds = array<i64: 1024, 1>}, {pipeline_mode = #tpu.pipeline_mode<synchronous>, transform_indices = @transform_3, window_bounds = array<i64: 1, 128>}, {transform_indices = @transform_4, window_bounds = array<i64: 1024, 128>}, {pipeline_mode = #tpu.pipeline_mode<synchronous>, transform_indices = @transform_5, window_bounds = array<i64: 8, 128>}]} {
    %get3A = arith.constant 0 : index
    %get3A_0 = arith.constant 0 : index
    %get3A_1 = vector.load %arg3[%get3A, %get3A_0] : memref<1024x1xf32, #tpu.memory_space<vmem>>, vector<1024x1xf32>
    %get3A_2 = arith.constant 0 : index
    %get3A_3 = arith.constant 0 : index
    %get3A_4 = arith.constant 0 : index
    %get3A_5 = vector.load %arg1[%get3A_2, %get3A_3, %get3A_4] : memref<2x1024x128xf32, #tpu.memory_space<vmem>>, vector<1x1024x128xf32>
    %get3A_6 = vector.shape_cast %get3A_5 : vector<1x1024x128xf32> to vector<1024x128xf32>
    %get3A_7 = arith.constant 1 : index
    %get3A_8 = arith.constant 0 : index
    %get3A_9 = arith.constant 0 : index
    %get3A_10 = vector.load %arg1[%get3A_7, %get3A_8, %get3A_9] : memref<2x1024x128xf32, #tpu.memory_space<vmem>>, vector<1x1024x128xf32>
    %get3A_11 = vector.shape_cast %get3A_10 : vector<1x1024x128xf32> to vector<1024x128xf32>
    %add3A = arith.addf %get3A_6, %get3A_11 : vector<1024x128xf32>
    %get3A_12 = arith.constant 0 : index
    %get3A_13 = arith.constant 0 : index
    %get3A_14 = vector.load %arg2[%get3A_12, %get3A_13] : memref<1024x128xf32, #tpu.memory_space<vmem>>, vector<1024x128xf32>
    %add3A_15 = arith.addf %add3A, %get3A_14 : vector<1024x128xf32>
    %mul3A = vector.broadcast %get3A_1 : vector<1024x1xf32> to vector<1024x128xf32>
    %mul3A_16 = arith.mulf %mul3A, %add3A_15 : vector<1024x128xf32>
    %get3A_17 = arith.constant 0 : index
    %get3A_18 = arith.constant 0 : index
    %get3A_19 = vector.load %arg4[%get3A_17, %get3A_18] : memref<1x128xf32, #tpu.memory_space<vmem>>, vector<1x128xf32>
    %add3A_20 = vector.broadcast %get3A_19 : vector<1x128xf32> to vector<1024x128xf32>
    %add3A_21 = arith.addf %mul3A_16, %add3A_20 : vector<1024x128xf32>
    %swap3A = arith.constant 0 : index
    %swap3A_22 = arith.constant 0 : index
    %swap3A_23 = vector.load %arg5[%swap3A, %swap3A_22] : memref<1024x128xf32, #tpu.memory_space<vmem>>, vector<1024x128xf32>
    tpu.vector_store %arg5[%swap3A, %swap3A_22], %add3A_21 {strides = array<i32>} : memref<1024x128xf32, #tpu.memory_space<vmem>>, vector<1024x128xf32>,
    %iota3A = tpu.iota {dimensions = array<i32: 0>} : vector<1024x1xi32>
    %mul3A_24 = arith.constant 1024 : i32
    %mul3A_25 = arith.muli %arg0, %mul3A_24 : i32
    %add3A_26 = vector.broadcast %mul3A_25 : i32 to vector<1024x1xi32>
    %add3A_27 = arith.addi %iota3A, %add3A_26 : vector<1024x1xi32>
    %lt3A = arith.constant 10000 : i32
    %lt3A_28 = vector.broadcast %lt3A : i32 to vector<1024x1xi32>
    %lt3A_29 = arith.cmpi slt, %add3A_27, %lt3A_28 : vector<1024x1xi32>
    %jit3A = arith.constant 0.000000e+00 : f32
    %broadcast_in_dim3A = vector.shape_cast %lt3A_29 : vector<1024x1xi1> to vector<1024x1xi1>
    %broadcast_in_dim3A_30 = vector.broadcast %broadcast_in_dim3A : vector<1024x1xi1> to vector<1024x128xi1>
    %broadcast_in_dim3A_31 = vector.broadcast %jit3A : f32 to vector<1024x128xf32>
    %select_n3A = arith.select %broadcast_in_dim3A_30, %add3A_21, %broadcast_in_dim3A_31 : vector<1024x128xi1>, vector<1024x128xf32>
    %eq3A = arith.constant 0 : i32
    %eq3A_32 = arith.cmpi eq, %arg0, %eq3A : i32
    %convert_element_type3A = arith.extui %eq3A_32 : i1 to i32
    %cond3A = arith.constant 0 : i32
    %cond3A_33 = arith.cmpi ne, %convert_element_type3A, %cond3A : i32
    scf.if %cond3A_33 {
      %broadcast_in_dim3A_54 = arith.constant 0.000000e+00 : f32
      %broadcast_in_dim3A_55 = vector.broadcast %broadcast_in_dim3A_54 : f32 to vector<8x128xf32>
      %swap3A_56 = arith.constant 0 : index
      %swap3A_57 = arith.constant 0 : index
      %swap3A_58 = vector.load %arg6[%swap3A_56, %swap3A_57] : memref<8x128xf32, #tpu.memory_space<vmem>>, vector<8x128xf32>
      tpu.vector_store %arg6[%swap3A_56, %swap3A_57], %broadcast_in_dim3A_55 {strides = array<i32>} : memref<8x128xf32, #tpu.memory_space<vmem>>, vector<8x128xf32>,
    } else {
    }
    %get3A_34 = arith.constant 0 : index
    %get3A_35 = arith.constant 0 : index
    %get3A_36 = vector.load %arg6[%get3A_34, %get3A_35] : memref<8x128xf32, #tpu.memory_space<vmem>>, vector<1x128xf32>
    %reduce_sum3A = arith.constant dense<0.000000e+00> : vector<128xf32>
    %reduce_sum3A_37 = vector.multi_reduction <add>, %select_n3A, %reduce_sum3A [0] : vector<1024x128xf32> to vector<128xf32>
    %broadcast_in_dim3A_38 = vector.shape_cast %reduce_sum3A_37 : vector<128xf32> to vector<1x128xf32>
    %add3A_39 = arith.addf %get3A_36, %broadcast_in_dim3A_38 : vector<1x128xf32>
    %swap3A_40 = arith.constant 0 : index
    %swap3A_41 = arith.constant 0 : index
    %swap3A_42 = vector.load %arg6[%swap3A_40, %swap3A_41] : memref<8x128xf32, #tpu.memory_space<vmem>>, vector<1x128xf32>
    tpu.vector_store %arg6[%swap3A_40, %swap3A_41], %add3A_39 {strides = array<i32>} : memref<8x128xf32, #tpu.memory_space<vmem>>, vector<1x128xf32>,
    %get3A_43 = arith.constant 1 : index
    %get3A_44 = arith.constant 0 : index
    %get3A_45 = vector.load %arg6[%get3A_43, %get3A_44] : memref<8x128xf32, #tpu.memory_space<vmem>>, vector<1x128xf32>
    %mul3A_46 = arith.mulf %select_n3A, %select_n3A : vector<1024x128xf32>
    %reduce_sum3A_47 = arith.constant dense<0.000000e+00> : vector<128xf32>
    %reduce_sum3A_48 = vector.multi_reduction <add>, %mul3A_46, %reduce_sum3A_47 [0] : vector<1024x128xf32> to vector<128xf32>
    %broadcast_in_dim3A_49 = vector.shape_cast %reduce_sum3A_48 : vector<128xf32> to vector<1x128xf32>
    %add3A_50 = arith.addf %get3A_45, %broadcast_in_dim3A_49 : vector<1x128xf32>
    %swap3A_51 = arith.constant 1 : index
    %swap3A_52 = arith.constant 0 : index
    %swap3A_53 = vector.load %arg6[%swap3A_51, %swap3A_52] : memref<8x128xf32, #tpu.memory_space<vmem>>, vector<1x128xf32>
    tpu.vector_store %arg6[%swap3A_51, %swap3A_52], %add3A_50 {strides = array<i32>} : memref<8x128xf32, #tpu.memory_space<vmem>>, vector<1x128xf32>,
    return
  }
  func.func @transform_0(%arg0: i32) -> (i32, i32, i32) {
    %c0_i32 = arith.constant 0 : i32
    %c0_i32_0 = arith.constant 0 : i32
    %c0_i32_1 = arith.constant 0 : i32
    return %c0_i32, %arg0, %c0_i32_0 : i32, i32, i32
  }
  func.func @transform_1(%arg0: i32) -> (i32, i32) {
    %c0_i32 = arith.constant 0 : i32
    %c0_i32_0 = arith.constant 0 : i32
    return %arg0, %c0_i32 : i32, i32
  }
  func.func @transform_2(%arg0: i32) -> (i32, i32) {
    %c0_i32 = arith.constant 0 : i32
    %c0_i32_0 = arith.constant 0 : i32
    return %arg0, %c0_i32 : i32, i32
  }
  func.func @transform_3(%arg0: i32) -> (i32, i32) {
    %c0_i32 = arith.constant 0 : i32
    %c0_i32_0 = arith.constant 0 : i32
    %c0_i32_1 = arith.constant 0 : i32
    return %c0_i32, %c0_i32_0 : i32, i32
  }
  func.func @transform_4(%arg0: i32) -> (i32, i32) {
    %c0_i32 = arith.constant 0 : i32
    %c0_i32_0 = arith.constant 0 : i32
    return %arg0, %c0_i32 : i32, i32
  }
  func.func @transform_5(%arg0: i32) -> (i32, i32) {
    %c0_i32 = arith.constant 0 : i32
    %c0_i32_0 = arith.constant 0 : i32
    %c0_i32_1 = arith.constant 0 : i32
    return %c0_i32, %c0_i32_0 : i32, i32
  }
}

module attributes {stable_mosaic.version = 14 : i64} {
  func.func @_tc_bn_mm_body(%arg0: i32, %arg1: memref<1024x128xf32, #tpu.memory_space<vmem>>, %arg2: memref<8x128xf32, #tpu.memory_space<vmem>>, %arg3: memref<1x128xf32, #tpu.memory_space<vmem>>, %arg4: memref<1x128xf32, #tpu.memory_space<vmem>>, %arg5: memref<128x128xf32, #tpu.memory_space<vmem>>, %arg6: memref<1024x1xf32, #tpu.memory_space<vmem>>, %arg7: memref<1024x128xf32, #tpu.memory_space<vmem>>) attributes {dimension_semantics = [#tpu.dimension_semantics<arbitrary>], iteration_bounds = array<i64: 10>, scalar_prefetch = 0 : i64, scratch_operands = 0 : i64, tpu.core_type = #tpu.core_type<tc>, window_params = [{transform_indices = @transform_0, window_bounds = array<i64: 1024, 128>}, {pipeline_mode = #tpu.pipeline_mode<synchronous>, transform_indices = @transform_1, window_bounds = array<i64: 8, 128>}, {pipeline_mode = #tpu.pipeline_mode<synchronous>, transform_indices = @transform_2, window_bounds = array<i64: 1, 128>}, {pipeline_mode = #tpu.pipeline_mode<synchronous>, transform_indices = @transform_3, window_bounds = array<i64: 1, 128>}, {pipeline_mode = #tpu.pipeline_mode<synchronous>, transform_indices = @transform_4, window_bounds = array<i64: 128, 128>}, {transform_indices = @transform_5, window_bounds = array<i64: 1024, 1>}, {transform_indices = @transform_6, window_bounds = array<i64: 1024, 128>}]} {
    %get3A = arith.constant 0 : index
    %get3A_0 = arith.constant 0 : index
    %get3A_1 = vector.load %arg2[%get3A, %get3A_0] : memref<8x128xf32, #tpu.memory_space<vmem>>, vector<1x128xf32>
    %mul3A = arith.constant 9.99999974E-5 : f32
    %mul3A_2 = vector.broadcast %mul3A : f32 to vector<1x128xf32>
    %mul3A_3 = arith.mulf %get3A_1, %mul3A_2 : vector<1x128xf32>
    %get3A_4 = arith.constant 1 : index
    %get3A_5 = arith.constant 0 : index
    %get3A_6 = vector.load %arg2[%get3A_4, %get3A_5] : memref<8x128xf32, #tpu.memory_space<vmem>>, vector<1x128xf32>
    %mul3A_7 = arith.constant 9.99999974E-5 : f32
    %mul3A_8 = vector.broadcast %mul3A_7 : f32 to vector<1x128xf32>
    %mul3A_9 = arith.mulf %get3A_6, %mul3A_8 : vector<1x128xf32>
    %mul3A_10 = arith.mulf %mul3A_3, %mul3A_3 : vector<1x128xf32>
    %sub3A = arith.subf %mul3A_9, %mul3A_10 : vector<1x128xf32>
    %get3A_11 = arith.constant 0 : index
    %get3A_12 = arith.constant 0 : index
    %get3A_13 = vector.load %arg3[%get3A_11, %get3A_12] : memref<1x128xf32, #tpu.memory_space<vmem>>, vector<1x128xf32>
    %add3A = arith.constant 9.99999974E-6 : f32
    %add3A_14 = vector.broadcast %add3A : f32 to vector<1x128xf32>
    %add3A_15 = arith.addf %sub3A, %add3A_14 : vector<1x128xf32>
    %rsqrt3A = math.rsqrt %add3A_15 : vector<1x128xf32>
    %mul3A_16 = arith.mulf %get3A_13, %rsqrt3A : vector<1x128xf32>
    %get3A_17 = arith.constant 0 : index
    %get3A_18 = arith.constant 0 : index
    %get3A_19 = vector.load %arg1[%get3A_17, %get3A_18] : memref<1024x128xf32, #tpu.memory_space<vmem>>, vector<1024x128xf32>
    %sub3A_20 = vector.broadcast %mul3A_3 : vector<1x128xf32> to vector<1024x128xf32>
    %sub3A_21 = arith.subf %get3A_19, %sub3A_20 : vector<1024x128xf32>
    %mul3A_22 = vector.broadcast %mul3A_16 : vector<1x128xf32> to vector<1024x128xf32>
    %mul3A_23 = arith.mulf %sub3A_21, %mul3A_22 : vector<1024x128xf32>
    %get3A_24 = arith.constant 0 : index
    %get3A_25 = arith.constant 0 : index
    %get3A_26 = vector.load %arg4[%get3A_24, %get3A_25] : memref<1x128xf32, #tpu.memory_space<vmem>>, vector<1x128xf32>
    %add3A_27 = vector.broadcast %get3A_26 : vector<1x128xf32> to vector<1024x128xf32>
    %add3A_28 = arith.addf %mul3A_23, %add3A_27 : vector<1024x128xf32>
    %max3A = arith.constant 0.000000e+00 : f32
    %max3A_29 = vector.broadcast %max3A : f32 to vector<1024x128xf32>
    %max3A_30 = arith.maximumf %add3A_28, %max3A_29 : vector<1024x128xf32>
    %get3A_31 = arith.constant 0 : index
    %get3A_32 = arith.constant 0 : index
    %get3A_33 = vector.load %arg5[%get3A_31, %get3A_32] : memref<128x128xf32, #tpu.memory_space<vmem>>, vector<128x128xf32>
    %dot_general3A = arith.constant dense<0.000000e+00> : vector<1024x128xf32>
    %dot_general3A_34 = tpu.matmul %max3A_30, %get3A_33, %dot_general3A {dimension_numbers = #tpu.dot_dimension_numbers<[1], [0], [0], [1], [0, 0, 1, 1], [], []>, transpose_lhs_hint = false} : vector<1024x128xf32>, vector<128x128xf32>, vector<1024x128xf32> -> vector<1024x128xf32>
    %get3A_35 = arith.constant 0 : index
    %get3A_36 = arith.constant 0 : index
    %get3A_37 = vector.load %arg6[%get3A_35, %get3A_36] : memref<1024x1xf32, #tpu.memory_space<vmem>>, vector<1024x1xf32>
    %mul3A_38 = vector.broadcast %get3A_37 : vector<1024x1xf32> to vector<1024x128xf32>
    %mul3A_39 = arith.mulf %mul3A_38, %dot_general3A_34 : vector<1024x128xf32>
    %swap3A = arith.constant 0 : index
    %swap3A_40 = arith.constant 0 : index
    %swap3A_41 = vector.load %arg7[%swap3A, %swap3A_40] : memref<1024x128xf32, #tpu.memory_space<vmem>>, vector<1024x128xf32>
    tpu.vector_store %arg7[%swap3A, %swap3A_40], %mul3A_39 {strides = array<i32>} : memref<1024x128xf32, #tpu.memory_space<vmem>>, vector<1024x128xf32>,
    return
  }
  func.func @transform_0(%arg0: i32) -> (i32, i32) {
    %c0_i32 = arith.constant 0 : i32
    %c0_i32_0 = arith.constant 0 : i32
    return %arg0, %c0_i32 : i32, i32
  }
  func.func @transform_1(%arg0: i32) -> (i32, i32) {
    %c0_i32 = arith.constant 0 : i32
    %c0_i32_0 = arith.constant 0 : i32
    %c0_i32_1 = arith.constant 0 : i32
    return %c0_i32, %c0_i32_0 : i32, i32
  }
  func.func @transform_2(%arg0: i32) -> (i32, i32) {
    %c0_i32 = arith.constant 0 : i32
    %c0_i32_0 = arith.constant 0 : i32
    %c0_i32_1 = arith.constant 0 : i32
    return %c0_i32, %c0_i32_0 : i32, i32
  }
  func.func @transform_3(%arg0: i32) -> (i32, i32) {
    %c0_i32 = arith.constant 0 : i32
    %c0_i32_0 = arith.constant 0 : i32
    %c0_i32_1 = arith.constant 0 : i32
    return %c0_i32, %c0_i32_0 : i32, i32
  }
  func.func @transform_4(%arg0: i32) -> (i32, i32) {
    %c0_i32 = arith.constant 0 : i32
    %c0_i32_0 = arith.constant 0 : i32
    %c0_i32_1 = arith.constant 0 : i32
    return %c0_i32, %c0_i32_0 : i32, i32
  }
  func.func @transform_5(%arg0: i32) -> (i32, i32) {
    %c0_i32 = arith.constant 0 : i32
    %c0_i32_0 = arith.constant 0 : i32
    return %arg0, %c0_i32 : i32, i32
  }
  func.func @transform_6(%arg0: i32) -> (i32, i32) {
    %c0_i32 = arith.constant 0 : i32
    %c0_i32_0 = arith.constant 0 : i32
    return %arg0, %c0_i32 : i32, i32
  }
}

module attributes {stable_mosaic.version = 14 : i64} {
  func.func @_tc_combine_body(%arg0: i32, %arg1: memref<2x1024x128xf32, #tpu.memory_space<vmem>>, %arg2: memref<1024x128xf32, #tpu.memory_space<vmem>>, %arg3: memref<1024x1xf32, #tpu.memory_space<vmem>>, %arg4: memref<1x128xf32, #tpu.memory_space<vmem>>, %arg5: memref<1024x128xf32, #tpu.memory_space<vmem>>) attributes {dimension_semantics = [#tpu.dimension_semantics<arbitrary>], iteration_bounds = array<i64: 10>, scalar_prefetch = 0 : i64, scratch_operands = 0 : i64, tpu.core_type = #tpu.core_type<tc>, window_params = [{transform_indices = @transform_0, window_bounds = array<i64: 2, 1024, 128>}, {transform_indices = @transform_1, window_bounds = array<i64: 1024, 128>}, {transform_indices = @transform_2, window_bounds = array<i64: 1024, 1>}, {pipeline_mode = #tpu.pipeline_mode<synchronous>, transform_indices = @transform_3, window_bounds = array<i64: 1, 128>}, {transform_indices = @transform_4, window_bounds = array<i64: 1024, 128>}]} {
    %get3A = arith.constant 0 : index
    %get3A_0 = arith.constant 0 : index
    %get3A_1 = vector.load %arg3[%get3A, %get3A_0] : memref<1024x1xf32, #tpu.memory_space<vmem>>, vector<1024x1xf32>
    %get3A_2 = arith.constant 0 : index
    %get3A_3 = arith.constant 0 : index
    %get3A_4 = arith.constant 0 : index
    %get3A_5 = vector.load %arg1[%get3A_2, %get3A_3, %get3A_4] : memref<2x1024x128xf32, #tpu.memory_space<vmem>>, vector<1x1024x128xf32>
    %get3A_6 = vector.shape_cast %get3A_5 : vector<1x1024x128xf32> to vector<1024x128xf32>
    %get3A_7 = arith.constant 1 : index
    %get3A_8 = arith.constant 0 : index
    %get3A_9 = arith.constant 0 : index
    %get3A_10 = vector.load %arg1[%get3A_7, %get3A_8, %get3A_9] : memref<2x1024x128xf32, #tpu.memory_space<vmem>>, vector<1x1024x128xf32>
    %get3A_11 = vector.shape_cast %get3A_10 : vector<1x1024x128xf32> to vector<1024x128xf32>
    %add3A = arith.addf %get3A_6, %get3A_11 : vector<1024x128xf32>
    %get3A_12 = arith.constant 0 : index
    %get3A_13 = arith.constant 0 : index
    %get3A_14 = vector.load %arg2[%get3A_12, %get3A_13] : memref<1024x128xf32, #tpu.memory_space<vmem>>, vector<1024x128xf32>
    %add3A_15 = arith.addf %add3A, %get3A_14 : vector<1024x128xf32>
    %mul3A = vector.broadcast %get3A_1 : vector<1024x1xf32> to vector<1024x128xf32>
    %mul3A_16 = arith.mulf %mul3A, %add3A_15 : vector<1024x128xf32>
    %get3A_17 = arith.constant 0 : index
    %get3A_18 = arith.constant 0 : index
    %get3A_19 = vector.load %arg4[%get3A_17, %get3A_18] : memref<1x128xf32, #tpu.memory_space<vmem>>, vector<1x128xf32>
    %add3A_20 = vector.broadcast %get3A_19 : vector<1x128xf32> to vector<1024x128xf32>
    %add3A_21 = arith.addf %mul3A_16, %add3A_20 : vector<1024x128xf32>
    %swap3A = arith.constant 0 : index
    %swap3A_22 = arith.constant 0 : index
    %swap3A_23 = vector.load %arg5[%swap3A, %swap3A_22] : memref<1024x128xf32, #tpu.memory_space<vmem>>, vector<1024x128xf32>
    tpu.vector_store %arg5[%swap3A, %swap3A_22], %add3A_21 {strides = array<i32>} : memref<1024x128xf32, #tpu.memory_space<vmem>>, vector<1024x128xf32>,
    return
  }
  func.func @transform_0(%arg0: i32) -> (i32, i32, i32) {
    %c0_i32 = arith.constant 0 : i32
    %c0_i32_0 = arith.constant 0 : i32
    %c0_i32_1 = arith.constant 0 : i32
    return %c0_i32, %arg0, %c0_i32_0 : i32, i32, i32
  }
  func.func @transform_1(%arg0: i32) -> (i32, i32) {
    %c0_i32 = arith.constant 0 : i32
    %c0_i32_0 = arith.constant 0 : i32
    return %arg0, %c0_i32 : i32, i32
  }
  func.func @transform_2(%arg0: i32) -> (i32, i32) {
    %c0_i32 = arith.constant 0 : i32
    %c0_i32_0 = arith.constant 0 : i32
    return %arg0, %c0_i32 : i32, i32
  }
  func.func @transform_3(%arg0: i32) -> (i32, i32) {
    %c0_i32 = arith.constant 0 : i32
    %c0_i32_0 = arith.constant 0 : i32
    %c0_i32_1 = arith.constant 0 : i32
    return %c0_i32, %c0_i32_0 : i32, i32
  }
  func.func @transform_4(%arg0: i32) -> (i32, i32) {
    %c0_i32 = arith.constant 0 : i32
    %c0_i32_0 = arith.constant 0 : i32
    return %arg0, %c0_i32 : i32, i32
  }
}

</mosaic_0001>

<sc_bundles>
// kernel: kernel.12.cloned.1.call-start
scs
__scs_entry_jumppad:
0x0: {  	(pc) =	sbr.rel $0x88, $3  }
0x1: {  	(tag) =	ssettag $0x0;
	lr =	simm.s32 $0x1  }
0x2: {  	[smem:$0x3F99] =	sst lr;
	_ =	strace $0xD0000000  }
0x3: {  	_ = 	snop  }
0x4: {  	_ = 	snop  }
0x5: {  	_ = 	snop  }
0x6: {  	_ = 	snop  }
0x7: {  	_ = 	snop  }
__scs_overlays_trampoline_lowered:
0x8: {  	[smem:$0x3FA8] =	sst s0  }
0x9: {  	[smem:$0x3FA9] =	sst s1  }
0xa: {  	[smem:$0x3FAA] =	sst s2  }
0xb: {  	[smem:$0x3FAB] =	sst s3  }
0xc: {  	[smem:$0x3FAC] =	sst s4  }
0xd: {  	[smem:$0x3FAD] =	sst s5  }
0xe: {  	[smem:$0x3FAE] =	sst s6  }
0xf: {  	[smem:$0x3FAF] =	sst s7  }
0x10: {  	[smem:$0x3FB0] =	sst s8  }
0x11: {  	[smem:$0x3FB1] =	sst s9;
	s0 =	simm.s32 @!p0 $0x0  }
0x12: {  	s1 =	sld [smem:$0x3F97];
	s0 =	simm.s32 @p0 $0x1  }
0x13: {  	[smem:$0x3FB2] =	sst s0;
	s0 =	simm.s32 @!p1 $0x0  }
0x14: {  	s2 =	sld [smem:$0x3F96];
	s0 =	simm.s32 @p1 $0x1  }
0x15: {  	[smem:$0x3FB3] =	sst s0;
	s0 =	simm.s32 @!p2 $0x0  }
0x16: {  	s3 =	sld [smem:$0x3FDB];
	s0 =	simm.s32 @p2 $0x1  }
0x17: {  	s4 =	simm.s32 $0x1BF5;
	[smem:$0x3FB5] =	sst s0  }
0x18: {  	s0 =	sld [smem:$0x3F98];
	_ =	swait.ge [sflag:s4], $0x0  }
0x19: {  	s7 =	sld [smem:$0x3F99]  }
0x1a: {  	s8 =	sadd.s32 $0xFFFFE003, lr  }
0x1b: {  	s9 =	sadd.s32 $0xFFFFFEF7, lr;
	s5 =	simm.s32 $0xFFFFFFFF;
	p2 =	slt.u32 s8, $0xFFFFF086  }
0x1c: {  	p1 =	slt.u32 s9, $0xF7A;
	s5 =	simm.s32 @!p2 $0x0  }
0x1d: {  	s5 =	simm.s32 @p1 $0x1;
	p0 =	seq.s32 s7, s2  }
0x1e: {  	s7 =	smul.u32 @!p0 $0xF7A, s2;
	p2 =	seq.s32 @!p0 s5, $0x0  }
0x1f: {  	s9 =	smul.u32 $0xF7A, s1;
	s8 =	simm.s32 @!p0 $0x1BF5;
	p2 =	por !p2, p0  }
0x20: {  	[sflag:s8] =	ssyncset.s32 @!p0 $0xFFFFF086;
	s6 =	sadd.s32 @!p0 s3, s7;
	s7 =	simm.s32 @!p0 $0x108  }
0x21: {  	s3 =	sadd.s32 s3, s9;
	s6 =	sadd.s32 @!p0 $0x88, s6;
	s7 =	simm.s32 @p2 $0x1082  }
0x22: {  	[simem:s7], [sflag:s8] =	dma.local @!p0 [hbm:s6], $0xF7A  }
0x23: {  	s9 =	sor.u32 $0xD0000000, s2;
	s6 =	simm.s32 $0x108;
	_ =	swait.ge @!p0 [sflag:s8], $0x0  }
0x24: {  	s3 =	sadd.s32 $0x88, s3;
	s6 =	simm.s32 @!p1 $0x1082;
	[sflag:s4] =	ssyncset.s32 $0xFFFFF086  }
0x25: {  	[simem:s6], [sflag:s4] =	dma.local [hbm:s3], $0xF7A  }
0x26: {  	[smem:$0x3F99] =	sst s1;
	(tag) =	ssettag s2;
	_ =	strace s9  }
0x27: {  	s1 =	sld [smem:$0x3FA9]  }
0x28: {  	s2 =	sld [smem:$0x3FAA]  }
0x29: {  	s4 =	sld [smem:$0x3FAC]  }
0x2a: {  	p0 =	seq.s32 s5, $0x0;
	s5 =	sld [smem:$0x3FAD]  }
0x2b: {  	s6 =	sld [smem:$0x3FAE]  }
0x2c: {  	s7 =	sld [smem:$0x3FAF]  }
0x2d: {  	s3 =	simm.s32 $0x108;
	s8 =	sld [smem:$0x3FB0]  }
0x2e: {  	s3 =	simm.s32 @!p0 $0x1082;
	s9 =	sld [smem:$0x3FB1]  }
0x2f: {  	lr =	sadd.s32 s0, s3;
	s0 =	sld [smem:$0x3FA8]  }
0x30: {  	s3 =	sld [smem:$0x3FAB]  }
0x31: {  	[smem:$0x3FB4] =	sst s10  }
0x32: {  	s10 =	sld [smem:$0x3FB2];
	_ =	sdelay $0x3  }
0x33: {  	p0 =	seq.s32 s10, $0x1;
	s10 =	sld [smem:$0x3FB4];
	_ =	sdelay $0x3  }
0x34: {  	[smem:$0x3FB4] =	sst s10  }
0x35: {  	s10 =	sld [smem:$0x3FB3];
	_ =	sdelay $0x3  }
0x36: {  	p1 =	seq.s32 s10, $0x1;
	s10 =	sld [smem:$0x3FB4];
	_ =	sdelay $0x3  }
0x37: {  	[smem:$0x3FB4] =	sst s10  }
0x38: {  	s10 =	sld [smem:$0x3FB5]  }
0x39: {  	_ = 	snop;
	(pc) =	sbr.ind lr, $3  }
0x3a: {  	_ = 	snop  }
0x3b: {  	_ = 	snop  }
0x3c: {  	p2 =	seq.s32 s10, $0x1;
	s10 =	sld [smem:$0x3FB4]  }
0x3d: {  	_ =	shalt  }
0x3e: {  	_ =	shalt  }
0x3f: {  	_ =	shalt  }
0x40: {  	_ =	shalt  }
0x41: {  	_ =	shalt  }
0x42: {  	_ =	shalt  }
0x43: {  	_ =	shalt  }
0x44: {  	_ =	shalt  }
0x45: {  	_ =	shalt  }
0x46: {  	_ =	shalt  }
0x47: {  	_ =	shalt  }
0x48: {  	_ =	shalt  }
0x49: {  	_ =	shalt  }
0x4a: {  	_ =	shalt  }
0x4b: {  	_ =	shalt  }
0x4c: {  	_ =	shalt  }
0x4d: {  	_ =	shalt  }
0x4e: {  	_ =	shalt  }
0x4f: {  	_ =	shalt  }
0x50: {  	_ =	shalt  }
0x51: {  	_ =	shalt  }
0x52: {  	_ =	shalt  }
0x53: {  	_ =	shalt  }
0x54: {  	_ =	shalt  }
0x55: {  	_ =	shalt  }
0x56: {  	_ =	shalt  }
0x57: {  	_ =	shalt  }
0x58: {  	_ =	shalt  }
0x59: {  	_ =	shalt  }
0x5a: {  	_ =	shalt  }
0x5b: {  	_ =	shalt  }
0x5c: {  	_ =	shalt  }
0x5d: {  	_ =	shalt  }
0x5e: {  	_ =	shalt  }
0x5f: {  	_ =	shalt  }
0x60: {  	_ =	shalt  }
0x61: {  	_ =	shalt  }
0x62: {  	_ =	shalt  }
0x63: {  	_ =	shalt  }
0x64: {  	_ =	shalt  }
0x65: {  	_ =	shalt  }
0x66: {  	_ =	shalt  }
0x67: {  	_ =	shalt  }
0x68: {  	_ =	shalt  }
0x69: {  	_ =	shalt  }
0x6a: {  	_ =	shalt  }
0x6b: {  	_ =	shalt  }
0x6c: {  	_ =	shalt  }
0x6d: {  	_ =	shalt  }
0x6e: {  	_ =	shalt  }
0x6f: {  	_ =	shalt  }
0x70: {  	_ =	shalt  }
0x71: {  	_ =	shalt  }
0x72: {  	_ =	shalt  }
0x73: {  	_ =	shalt  }
0x74: {  	_ =	shalt  }
0x75: {  	_ =	shalt  }
0x76: {  	_ =	shalt  }
0x77: {  	_ =	shalt  }
0x78: {  	_ =	shalt  }
0x79: {  	_ =	shalt  }
0x7a: {  	_ =	shalt  }
0x7b: {  	_ =	shalt  }
0x7c: {  	_ =	shalt  }
0x7d: {  	_ =	shalt  }
0x7e: {  	_ =	shalt  }
0x7f: {  	_ =	shalt  }
0x80: {  	_ =	shalt  }
0x81: {  	_ =	shalt  }
0x82: {  	_ =	shalt  }
0x83: {  	_ =	shalt  }
0x84: {  	_ =	shalt  }
0x85: {  	_ =	shalt  }
0x86: {  	_ =	shalt  }
0x87: {  	_ =	shalt  }
.Lfunc_end0:
.L_simem_size_0:
called_computation.1_lowered:
.L_overlay_start_0:
0x88: {  	s2 =	sld [smem:$0x3FD9]  }
0x89: {  	s3 =	sld [smem:$0x3FFE];
	_ =	sdelay $0x1  }
0x8a: {  	s1 =	srdreg.scid  }
0x8b: {  	s0 =	sand.u32 $0x1, s1  }
0x8c: {  	s17 =	sshll.u32 s0, $0xA;
	s2 =	sadd.s32 s3, s2  }
0x8d: {  	s2 =	sadd.s32 s2, s17  }
0x8e: {  	[smem:$0x3FC0] =	sst s2  }
0x8f: {  	_ = 	snop  }
0x90: {  	s2 =	sld [smem:$0x3FD0];
	(tm) =	ssettm $0x1  }
0x91: {  	s18 =	sld [smem:$0x3FFB];
	_ =	sdelay $0x3  }
0x92: {  	_ =	strace s18  }
0x93: {  	s3 =	sld [smem:$0x3FFC];
	_ =	sdelay $0x3  }
0x94: {  	_ =	strace s3  }
0x95: {  	s3 =	sld [smem:$0x3FFD];
	_ =	sdelay $0x3  }
0x96: {  	_ =	strace s3  }
0x97: {  	_ =	strace $0x8FFFFFFF  }
0x98: {  	s19 =	sld [smem:$0x3FDB];
	_ =	sdelay $0x1  }
0x99: {  	s4 =	simm.s32 $_scs_section_size  }
0x9a: {  	s5 =	simm.s32 $_size__tile_overlayer_lowered;
	s6 =	simm.s32 $_tile_overlayer_lowered  }
0x9b: {  	s22 =	simm.s32 $0x1BFF;
	s21 =	sshll.u32 s6, $0x1;
	s3 =	sadd.s32 s4, s19  }
0x9c: {  	s7 =	simm.s32 $0x0;
	s20 =	sshll.u32 s5, $0x1;
	s5 =	sadd.s32 s21, s3  }
0x9d: {  	[timem:s7], [sflag:s22] =	dma.local [hbm:s5], s20  }
0x9e: {  	_ =	swait.ge [sflag:s22], s20  }
0x9f: {  	s4 =	ssub.s32 $0x0, s20;
	[sflag:s22] =	ssyncset.done $0x0  }
0xa0: {  	[sflag:s22] =	ssyncadd.s32 s4;
	_ =	sdelay $0x1  }
0xa1: {  	s23 =	simm.s32 $0x1B8B  }
0xa2: {  	_ =	swait.ge [sflag:s23], $0x1  }
0xa3: {  	[sflag:s23] =	ssyncset.done $0x0  }
0xa4: {  	s25 =	simm.s32 $0x1B8E;
	s24 =	sld [smem:$0x3FFE];
	[sflag:s23] =	ssyncadd.s32 $0xFFFFFFFF  }
0xa5: {  	s26 =	simm.s32 $execute0_lowered;
	[smem:$0x3FD2] =	sst s25  }
0xa6: {  	s5 =	sshll.u32 s26, $0x1;
	_ =	strace $0x80000049;
	[dreg:$0x1] =	wrdreg $0xFFFFFFFF  }
0xa7: {  	s28 =	simm.s32 $_size_execute0_lowered;
	s3 =	sadd.s32 s3, s5;
	[dreg:$0x0] =	wrdreg $0x0  }
0xa8: {  	s5 =	sshll.u32 s28, $0x1;
	[dreg:$0x2] =	wrdreg s3  }
0xa9: {  	[dreg:$0x3] =	wrdreg s5  }
0xaa: {  	[dreg:$0x4] =	wrdreg $0xC0  }
0xab: {  	_ =	task [dreg:s7], $0x5FFFF  }
0xac: {  	[dreg:$0x1] =	wrdreg $0xFFFFFFFF  }
0xad: {  	[dreg:$0x0] =	wrdreg $0x60  }
0xae: {  	[dreg:$0x2] =	wrdreg s24  }
0xaf: {  	[dreg:$0x3] =	wrdreg s2  }
0xb0: {  	[dreg:$0x4] =	wrdreg $0x90000  }
0xb1: {  	[dreg:$0x5] =	wrdreg $0x9  }
0xb2: {  	_ =	task.clear_ibuf [dreg:s7], $0x6FFFF;
	_ =	strace $0x90000049  }
0xb3: {  	s29 =	simm.s32 $0x9;
	_ =	strace $0x8000004B  }
0xb4: {  	_ =	swait.ge [sflag:s29], $0x1  }
0xb5: {  	[sflag:s29] =	ssyncadd.s32 $0xFFFFFFFF  }
0xb6: {  	_ =	strace $0x9000004B  }
0xb7: {  	_ =	sfence  }
0xb8: {  	s30 =	sld [smem:$0x0];
	_ =	sdelay $0x2  }
0xb9: {  	s31 =	sshll.u32 s1, $0xD;
	s1 =	sshrl.u32 s1, $0x2  }
0xba: {  	s3 =	sand.u32 $0x4000, s31;
	s1 =	sadd.s32 s1, s30  }
0xbb: {  	s0 =	sor.u32 s3, s0;
	s1 =	sshll.u32 s1, $0x11  }
0xbc: {  	s0 =	sor.u32 s1, s0  }
0xbd: {  	s0 =	sadd.s32 $0x8F2B, s0  }
0xbe: {  	[sflag:s0] =	ssyncadd.remote.s32 $0x1  }
0xbf: {  	_ =	sfence.sel $0xFFFF  }
0xc0: {  	[dreg:$0x0] =	wrdreg $0xFFFFFFFF;
	(pc) =	sbr.abs _section_cstart, $3  }
0xc1: {  	[dreg:$0x1] =	wrdreg $0xFFFFFFFF  }
0xc2: {  	_ =	task.clear_ibuf [dreg:s7], $0x2FFFF;
	_ =	strace $0x9FFFFFFF  }
0xc3: {  	(tm) =	ssettm $0x7FFFFFFF  }
tec
execute0_lowered:
.L_overlay_start_1:
0x0: {  	(tag) =	ssettag $0x1  }
0x1: {  	s5 =	rddreg [dreg:$0x0]  }
0x2: {  	s1 =	srdreg.scid;
	s7 =	rddreg [dreg:$0x1]  }
0x3: {  	s0 =	stileid.u32;
	s2 =	rddreg [dreg:$0x2]  }
0x4: {  	s3 =	simm.s32 $0x0;
	s14 =	simm.s32 $0x5000;
	s15 =	simm.s32 $0x1  }
0x5: {  	s16 =	simm.s32 $0x2800;
	s17 =	simm.s32 $0x80;
	s6 =	sand.u32 $0x1, s1  }
0x6: {  	s30 =	sshll.u32 s0, $0x1;
	[smem:$0x7FF] =	sst s3;
	s10 =	smul.u32 $0x14000, s0  }
0x7: {  	s4 =	sadd.s32 $0xCE00, s5;
	s11 =	smul.u32 $0x50000, s0;
	s18 =	sshll.u32 s0, $0x6  }
0x8: {  	s1 =	sor.u32 s6, s30;
	s9 =	smul.u32 $0x140000, s6;
	s6 =	ssub.s32 $0x2, s6  }
0x9: {  	s18 =	sor.u32 $0x1C01, s18;
	s8 =	smul.u32 $0x500, s1;
	s1 =	rddreg [dreg:$0x3]  }
0xa: {  	_ =	strace $0x8000004A;
	s31 =	sshrl.u32 s6, $0x1;
	s9 =	sadd.s32 s10, s9  }
0xb: {  	s11 =	sshrl.u32 s11, $0x2;
	s10 =	ssub.s32 s6, s31;
	s9 =	sshrl.u32 s9, $0x3  }
0xc: {  	s12 =	sadd.s32 s8, s5;
	s7 =	sadd.s32 s7, s8;
	s9 =	sadd.s32 s9, s5  }
0xd: {  	s5 =	sadd.s32 s11, s2;
	s6 =	sadd.s32 $0x2E00, s12;
	s8 =	sadd.s32 $0x34E00, s9  }
0xe: {  	s9 =	smax.u32 s10, $0x1;
	s10 =	sadd.s32 $0x4000, s5;
	s11 =	sadd.s32 $0x8000, s5  }
0xf: {  	v0 =	vimm.f32 $0.0e+00;
	s12 =	sadd.s32 $0xC000, s5;
	s13 =	sadd.s32 $0x10000, s5;
	s19 =	sshrl.u32 s5, $0x3  }
.LBB2_1:
0x10: {  	s20 =	simm.s32 $0x0;
	s21 =	simm.s32 $0x200  }
.LBB2_2:
0x11: {  	p0 =	sne.s32 s21, $0xFE00;
	[tilespmem:s20+$0x5070] =	vst v0  }
0x12: {  	[tilespmem:s20+$0x5000] =	vst v0  }
0x13: {  	[tilespmem:s20+$0x5010] =	vst v0  }
.Ltmp0:
0x14: {  	[tilespmem:s20+$0x5020] =	vst v0;
	(pc) =	sbr.rel @p0 .LBB2_2-.Ltmp0, $4  }
0x15: {  	[tilespmem:s20+$0x5030] =	vst v0  }
0x16: {  	[tilespmem:s20+$0x5040] =	vst v0  }
0x17: {  	[tilespmem:s20+$0x5050] =	vst v0  }
0x18: {  	[tilespmem:s20+$0x5060] =	vst v0;
	s20 =	sshra.s32 s21, $0x2;
	s21 =	sadd.s32 $0x200, s21  }
0x19: {  	[tilespmem:s20+$0x5070] =	vst v0  }
0x1a: {  	[tilespmem:s20+$0x5000] =	vst v0  }
0x1b: {  	[tilespmem:s20+$0x5010] =	vst v0  }
0x1c: {  	[tilespmem:s20+$0x5020] =	vst v0  }
0x1d: {  	[tilespmem:s20+$0x5030] =	vst v0  }
0x1e: {  	[tilespmem:s20+$0x5040] =	vst v0  }
0x1f: {  	[tilespmem:s20+$0x5050] =	vst v0  }
0x20: {  	[tilespmem:s20+$0x5060] =	vst v0  }
0x21: {  	[spmem:s5] =	stream.linear.scatter [tilespmem:s14], [sflag:$0x1], $0x4000, $0x38;
	[tilespmem:$0x1D000] =	vst v63  }
0x22: {  	_ =	swait.ge [sflag:s15], $0x4000  }
0x23: {  	[sflag:s15] =	ssyncset.done $0x0  }
0x24: {  	[sflag:s15] =	ssyncadd.s32 $0xFFFFC000  }
0x25: {  	[spmem:s10] =	stream.linear.scatter [tilespmem:s14], [sflag:$0x1], $0x4000, $0x38;
	[tilespmem:$0x1D000] =	vst v63  }
0x26: {  	_ =	swait.ge [sflag:s15], $0x4000  }
0x27: {  	[sflag:s15] =	ssyncset.done $0x0  }
0x28: {  	[sflag:s15] =	ssyncadd.s32 $0xFFFFC000  }
0x29: {  	[spmem:s11] =	stream.linear.scatter [tilespmem:s14], [sflag:$0x1], $0x4000, $0x38;
	[tilespmem:$0x1D000] =	vst v63  }
0x2a: {  	_ =	swait.ge [sflag:s15], $0x4000  }
0x2b: {  	[sflag:s15] =	ssyncset.done $0x0  }
0x2c: {  	[sflag:s15] =	ssyncadd.s32 $0xFFFFC000  }
0x2d: {  	[spmem:s12] =	stream.linear.scatter [tilespmem:s14], [sflag:$0x1], $0x4000, $0x38;
	[tilespmem:$0x1D000] =	vst v63  }
0x2e: {  	_ =	swait.ge [sflag:s15], $0x4000  }
0x2f: {  	[sflag:s15] =	ssyncset.done $0x0  }
0x30: {  	[sflag:s15] =	ssyncadd.s32 $0xFFFFC000  }
0x31: {  	[spmem:s13] =	stream.linear.scatter [tilespmem:s14], [sflag:$0x1], $0x4000, $0x38;
	[tilespmem:$0x1D000] =	vst v63  }
0x32: {  	_ =	swait.ge [sflag:s15], $0x4000  }
0x33: {  	[sflag:s15] =	ssyncset.done $0x0  }
0x34: {  	[sflag:s15] =	ssyncadd.s32 $0xFFFFC000  }
0x35: {  	s29 =	simm.s32 $0x0;
	[bflag:$0x0] =	sbarrier.arrive $0xFFFF  }
0x36: {  	[tilespmem:s29], [sflag:$0x1] =	stream.linear.gather [hbm4b:s6+s29], $0x2800, $0x38;
	[tilespmem:$0x1D000] =	vst v63  }
0x37: {  	_ =	swait.ge [sflag:s15], $0x2800  }
0x38: {  	[sflag:s15] =	ssyncset.done $0x0  }
0x39: {  	[sflag:s15] =	ssyncadd.s32 $0xFFFFD800  }
0x3a: {  	[tilespmem:s16], [sflag:$0x1] =	stream.linear.gather [hbm4b:s7+s29], $0x2800, $0x38;
	[tilespmem:$0x1D000] =	vst v63  }
0x3b: {  	_ =	swait.ge [sflag:s15], $0x2800  }
0x3c: {  	[sflag:s15] =	ssyncset.done $0x0  }
0x3d: {  	s30 =	simm.s32 $0x0;
	[sflag:s15] =	ssyncadd.s32 $0xFFFFD800  }
0x3e: {  	[tilespmem:s14], [sflag:$0x1] =	stream.indirect.gather [hbm4b:s4+s17], $0x80, s30, s17, $0xb8;
	[tilespmem:$0x1D000] =	vst v63  }
0x3f: {  	_ =	swait.ge [sflag:s15], $0x4000  }
0x40: {  	[sflag:s15] =	ssyncset.done $0x0  }
0x41: {  	s31 =	simm.s32 $0x2800;
	[sflag:s15] =	ssyncadd.s32 $0xFFFFC000  }
0x42: {  	[spmem:s2] =	stream.indirect.scatter.add.f32 [tilespmem:s14], [sflag:$0x1], $0x80, s31, s17, $0xb8;
	[tilespmem:$0x1D000] =	vst v63  }
0x43: {  	_ =	swait.ge [sflag:s15], $0x4000  }
0x44: {  	s20 =	simm.s32 $0x200;
	s21 =	simm.s32 $0x400;
	[sflag:s15] =	ssyncset.done $0x0  }
.LBB2_4:
0x45: {  	s22 =	sshra.s32 s20, $0x2  }
0x46: {  	[sflag:s15] =	ssyncadd.s32 $0xFFFFC000;
	s20 =	smov.u32 s21;
	s23 =	sadd.s32 $0x200, s21  }
0x47: {  	[tilespmem:s14], [sflag:$0x1] =	stream.indirect.gather [hbm4b:s4+s17], $0x80, s22, s17, $0xb8;
	[tilespmem:$0x1D000] =	vst v63  }
0x48: {  	p0 =	sne.s32 s21, $0x9E00;
	_ =	swait.ge [sflag:s15], $0x4000  }
.Ltmp1:
0x49: {  	[sflag:s15] =	ssyncset.done $0x0;
	(pc) =	sbr.rel @p0 .LBB2_4-.Ltmp1, $4  }
0x4a: {  	s21 =	sadd.s32 $0x2800, s22;
	[sflag:s15] =	ssyncadd.s32 $0xFFFFC000  }
0x4b: {  	[spmem:s2] =	stream.indirect.scatter.add.f32 [tilespmem:s14], [sflag:$0x1], $0x80, s21, s17, $0xb8;
	[tilespmem:$0x1D000] =	vst v63  }
0x4c: {  	_ =	swait.ge [sflag:s15], $0x4000  }
0x4d: {  	s21 =	smov.u32 s23;
	[sflag:s15] =	ssyncset.done $0x0  }
0x4e: {  	s20 =	sshra.s32 s20, $0x2;
	[sflag:s15] =	ssyncadd.s32 $0xFFFFC000  }
0x4f: {  	[tilespmem:s14], [sflag:$0x1] =	stream.indirect.gather [hbm4b:s4+s17], $0x80, s20, s17, $0xb8;
	[tilespmem:$0x1D000] =	vst v63  }
0x50: {  	_ =	swait.ge [sflag:s15], $0x4000  }
0x51: {  	[sflag:s15] =	ssyncset.done $0x0  }
0x52: {  	s20 =	sadd.s32 $0x2800, s20;
	[sflag:s15] =	ssyncadd.s32 $0xFFFFC000  }
0x53: {  	[spmem:s2] =	stream.indirect.scatter.add.f32 [tilespmem:s14], [sflag:$0x1], $0x80, s20, s17, $0xb8;
	[tilespmem:$0x1D000] =	vst v63  }
0x54: {  	_ =	swait.ge [sflag:s15], $0x4000  }
0x55: {  	s3 =	sadd.s32 $0x1, s3;
	[sflag:s15] =	ssyncset.done $0x0  }
0x56: {  	p0 =	sne.s32 s3, s9;
	[sflag:s15] =	ssyncadd.s32 $0xFFFFC000  }
.Ltmp2:
0x57: {  	[bflag:$0x0] =	sbarrier.arrive $0xFFFF;
	(pc) =	sbr.rel @p0 .LBB2_1-.Ltmp2, $4  }
0x58: {  	[hbm:s8], [sflag:s18] =	dma.local [spmem:s19], $0x2800  }
0x59: {  	_ =	swait.ge [sflag:s15], $0x2800  }
0x5a: {  	[sflag:s15] =	ssyncset.done $0x0  }
0x5b: {  	[sflag:s15] =	ssyncadd.s32 $0xFFFFD800  }
0x5c: {  	_ =	sfence.sel $0x180000  }
0x5d: {  	[bflag:$0x0] =	sbarrier.arrive $0xFFFF  }
0x5e: {  	p0 =	sne.s32 s0, $0x0;
	_ =	strace $0x9000004A  }
0x5f: {  	s0 =	sadd.s32 @!p0 $0x100000, s1;
	[bflag:$0x2] =	sbarrier.arrive $0xFFFF  }
0x60: {  	[sflag:s0] =	ssyncadd.tile.s32 @!p0 $0x1;
	_ =	shalt  }
.Lfunc_end2:
_tile_overlayer_lowered:
.L_overlay_start_2:
0x61: {  	(tag) =	ssettag $0x2  }
0x62: {  	s0 =	rddreg [dreg:$0x0];
	s2 =	stileid.u32  }
0x63: {  	s1 =	rddreg [dreg:$0x1];
	p0 =	sne.s32 s2, $0x0  }
0x64: {  	s3 =	rddreg [dreg:$0x2];
	[bflag:$0x3] =	sbarrier.arrive $0xFFFF;
	s2 =	simm.s32 @!p0 $0x1C01  }
0x65: {  	[timem:s3], [sflag:s2] =	dma.local @!p0 [hbm:s0], s1  }
0x66: {  	s0 =	simm.s32 @!p0 $0x1  }
0x67: {  	_ =	swait.ge @!p0 [sflag:s0], s1  }
0x68: {  	s1 =	ssub.s32 @!p0 $0x0, s1;
	[sflag:s0] =	ssyncset.done @!p0 $0x0  }
0x69: {  	[sflag:s0] =	ssyncadd.s32 @!p0 s1  }
0x6a: {  	[bflag:$0x3] =	sbarrier.arrive $0xFFFF  }
0x6b: {  	_ =	shalt  }

// kernel: kernel.15.cloned.1.call-start
scs
__scs_entry_jumppad:
0x0: {  	(pc) =	sbr.rel $0x88, $3  }
0x1: {  	(tag) =	ssettag $0x0;
	lr =	simm.s32 $0x1  }
0x2: {  	[smem:$0x3F99] =	sst lr;
	_ =	strace $0xD0000000  }
0x3: {  	_ = 	snop  }
0x4: {  	_ = 	snop  }
0x5: {  	_ = 	snop  }
0x6: {  	_ = 	snop  }
0x7: {  	_ = 	snop  }
__scs_overlays_trampoline_lowered:
0x8: {  	[smem:$0x3FA8] =	sst s0  }
0x9: {  	[smem:$0x3FA9] =	sst s1  }
0xa: {  	[smem:$0x3FAA] =	sst s2  }
0xb: {  	[smem:$0x3FAB] =	sst s3  }
0xc: {  	[smem:$0x3FAC] =	sst s4  }
0xd: {  	[smem:$0x3FAD] =	sst s5  }
0xe: {  	[smem:$0x3FAE] =	sst s6  }
0xf: {  	[smem:$0x3FAF] =	sst s7  }
0x10: {  	[smem:$0x3FB0] =	sst s8  }
0x11: {  	[smem:$0x3FB1] =	sst s9;
	s0 =	simm.s32 @!p0 $0x0  }
0x12: {  	s1 =	sld [smem:$0x3F97];
	s0 =	simm.s32 @p0 $0x1  }
0x13: {  	[smem:$0x3FB2] =	sst s0;
	s0 =	simm.s32 @!p1 $0x0  }
0x14: {  	s2 =	sld [smem:$0x3F96];
	s0 =	simm.s32 @p1 $0x1  }
0x15: {  	[smem:$0x3FB3] =	sst s0;
	s0 =	simm.s32 @!p2 $0x0  }
0x16: {  	s3 =	sld [smem:$0x3FDB];
	s0 =	simm.s32 @p2 $0x1  }
0x17: {  	s4 =	simm.s32 $0x1BF5;
	[smem:$0x3FB5] =	sst s0  }
0x18: {  	s0 =	sld [smem:$0x3F98];
	_ =	swait.ge [sflag:s4], $0x0  }
0x19: {  	s7 =	sld [smem:$0x3F99]  }
0x1a: {  	s8 =	sadd.s32 $0xFFFFE003, lr  }
0x1b: {  	s9 =	sadd.s32 $0xFFFFFEF7, lr;
	s5 =	simm.s32 $0xFFFFFFFF;
	p2 =	slt.u32 s8, $0xFFFFF086  }
0x1c: {  	p1 =	slt.u32 s9, $0xF7A;
	s5 =	simm.s32 @!p2 $0x0  }
0x1d: {  	s5 =	simm.s32 @p1 $0x1;
	p0 =	seq.s32 s7, s2  }
0x1e: {  	s7 =	smul.u32 @!p0 $0xF7A, s2;
	p2 =	seq.s32 @!p0 s5, $0x0  }
0x1f: {  	s9 =	smul.u32 $0xF7A, s1;
	s8 =	simm.s32 @!p0 $0x1BF5;
	p2 =	por !p2, p0  }
0x20: {  	[sflag:s8] =	ssyncset.s32 @!p0 $0xFFFFF086;
	s6 =	sadd.s32 @!p0 s3, s7;
	s7 =	simm.s32 @!p0 $0x108  }
0x21: {  	s3 =	sadd.s32 s3, s9;
	s6 =	sadd.s32 @!p0 $0x88, s6;
	s7 =	simm.s32 @p2 $0x1082  }
0x22: {  	[simem:s7], [sflag:s8] =	dma.local @!p0 [hbm:s6], $0xF7A  }
0x23: {  	s9 =	sor.u32 $0xD0000000, s2;
	s6 =	simm.s32 $0x108;
	_ =	swait.ge @!p0 [sflag:s8], $0x0  }
0x24: {  	s3 =	sadd.s32 $0x88, s3;
	s6 =	simm.s32 @!p1 $0x1082;
	[sflag:s4] =	ssyncset.s32 $0xFFFFF086  }
0x25: {  	[simem:s6], [sflag:s4] =	dma.local [hbm:s3], $0xF7A  }
0x26: {  	[smem:$0x3F99] =	sst s1;
	(tag) =	ssettag s2;
	_ =	strace s9  }
0x27: {  	s1 =	sld [smem:$0x3FA9]  }
0x28: {  	s2 =	sld [smem:$0x3FAA]  }
0x29: {  	s4 =	sld [smem:$0x3FAC]  }
0x2a: {  	p0 =	seq.s32 s5, $0x0;
	s5 =	sld [smem:$0x3FAD]  }
0x2b: {  	s6 =	sld [smem:$0x3FAE]  }
0x2c: {  	s7 =	sld [smem:$0x3FAF]  }
0x2d: {  	s3 =	simm.s32 $0x108;
	s8 =	sld [smem:$0x3FB0]  }
0x2e: {  	s3 =	simm.s32 @!p0 $0x1082;
	s9 =	sld [smem:$0x3FB1]  }
0x2f: {  	lr =	sadd.s32 s0, s3;
	s0 =	sld [smem:$0x3FA8]  }
0x30: {  	s3 =	sld [smem:$0x3FAB]  }
0x31: {  	[smem:$0x3FB4] =	sst s10  }
0x32: {  	s10 =	sld [smem:$0x3FB2];
	_ =	sdelay $0x3  }
0x33: {  	p0 =	seq.s32 s10, $0x1;
	s10 =	sld [smem:$0x3FB4];
	_ =	sdelay $0x3  }
0x34: {  	[smem:$0x3FB4] =	sst s10  }
0x35: {  	s10 =	sld [smem:$0x3FB3];
	_ =	sdelay $0x3  }
0x36: {  	p1 =	seq.s32 s10, $0x1;
	s10 =	sld [smem:$0x3FB4];
	_ =	sdelay $0x3  }
0x37: {  	[smem:$0x3FB4] =	sst s10  }
0x38: {  	s10 =	sld [smem:$0x3FB5]  }
0x39: {  	_ = 	snop;
	(pc) =	sbr.ind lr, $3  }
0x3a: {  	_ = 	snop  }
0x3b: {  	_ = 	snop  }
0x3c: {  	p2 =	seq.s32 s10, $0x1;
	s10 =	sld [smem:$0x3FB4]  }
0x3d: {  	_ =	shalt  }
0x3e: {  	_ =	shalt  }
0x3f: {  	_ =	shalt  }
0x40: {  	_ =	shalt  }
0x41: {  	_ =	shalt  }
0x42: {  	_ =	shalt  }
0x43: {  	_ =	shalt  }
0x44: {  	_ =	shalt  }
0x45: {  	_ =	shalt  }
0x46: {  	_ =	shalt  }
0x47: {  	_ =	shalt  }
0x48: {  	_ =	shalt  }
0x49: {  	_ =	shalt  }
0x4a: {  	_ =	shalt  }
0x4b: {  	_ =	shalt  }
0x4c: {  	_ =	shalt  }
0x4d: {  	_ =	shalt  }
0x4e: {  	_ =	shalt  }
0x4f: {  	_ =	shalt  }
0x50: {  	_ =	shalt  }
0x51: {  	_ =	shalt  }
0x52: {  	_ =	shalt  }
0x53: {  	_ =	shalt  }
0x54: {  	_ =	shalt  }
0x55: {  	_ =	shalt  }
0x56: {  	_ =	shalt  }
0x57: {  	_ =	shalt  }
0x58: {  	_ =	shalt  }
0x59: {  	_ =	shalt  }
0x5a: {  	_ =	shalt  }
0x5b: {  	_ =	shalt  }
0x5c: {  	_ =	shalt  }
0x5d: {  	_ =	shalt  }
0x5e: {  	_ =	shalt  }
0x5f: {  	_ =	shalt  }
0x60: {  	_ =	shalt  }
0x61: {  	_ =	shalt  }
0x62: {  	_ =	shalt  }
0x63: {  	_ =	shalt  }
0x64: {  	_ =	shalt  }
0x65: {  	_ =	shalt  }
0x66: {  	_ =	shalt  }
0x67: {  	_ =	shalt  }
0x68: {  	_ =	shalt  }
0x69: {  	_ =	shalt  }
0x6a: {  	_ =	shalt  }
0x6b: {  	_ =	shalt  }
0x6c: {  	_ =	shalt  }
0x6d: {  	_ =	shalt  }
0x6e: {  	_ =	shalt  }
0x6f: {  	_ =	shalt  }
0x70: {  	_ =	shalt  }
0x71: {  	_ =	shalt  }
0x72: {  	_ =	shalt  }
0x73: {  	_ =	shalt  }
0x74: {  	_ =	shalt  }
0x75: {  	_ =	shalt  }
0x76: {  	_ =	shalt  }
0x77: {  	_ =	shalt  }
0x78: {  	_ =	shalt  }
0x79: {  	_ =	shalt  }
0x7a: {  	_ =	shalt  }
0x7b: {  	_ =	shalt  }
0x7c: {  	_ =	shalt  }
0x7d: {  	_ =	shalt  }
0x7e: {  	_ =	shalt  }
0x7f: {  	_ =	shalt  }
0x80: {  	_ =	shalt  }
0x81: {  	_ =	shalt  }
0x82: {  	_ =	shalt  }
0x83: {  	_ =	shalt  }
0x84: {  	_ =	shalt  }
0x85: {  	_ =	shalt  }
0x86: {  	_ =	shalt  }
0x87: {  	_ =	shalt  }
.Lfunc_end0:
.L_simem_size_0:
called_computation.2_lowered:
.L_overlay_start_0:
0x88: {  	s2 =	sld [smem:$0x3FD9]  }
0x89: {  	s3 =	sld [smem:$0x3FFE];
	_ =	sdelay $0x1  }
0x8a: {  	s1 =	srdreg.scid  }
0x8b: {  	s0 =	sand.u32 $0x1, s1  }
0x8c: {  	s17 =	sshll.u32 s0, $0xA;
	s2 =	sadd.s32 s3, s2  }
0x8d: {  	s2 =	sadd.s32 s2, s17  }
0x8e: {  	[smem:$0x3FC0] =	sst s2  }
0x8f: {  	_ = 	snop  }
0x90: {  	s2 =	sld [smem:$0x3FD0];
	(tm) =	ssettm $0x1  }
0x91: {  	s18 =	sld [smem:$0x3FFB];
	_ =	sdelay $0x3  }
0x92: {  	_ =	strace s18  }
0x93: {  	s3 =	sld [smem:$0x3FFC];
	_ =	sdelay $0x3  }
0x94: {  	_ =	strace s3  }
0x95: {  	s3 =	sld [smem:$0x3FFD];
	_ =	sdelay $0x3  }
0x96: {  	_ =	strace s3  }
0x97: {  	_ =	strace $0x8FFFFFFF  }
0x98: {  	s19 =	sld [smem:$0x3FDB];
	_ =	sdelay $0x1  }
0x99: {  	s4 =	simm.s32 $_scs_section_size  }
0x9a: {  	s5 =	simm.s32 $_size__tile_overlayer_lowered;
	s6 =	simm.s32 $_tile_overlayer_lowered  }
0x9b: {  	s22 =	simm.s32 $0x1BFF;
	s21 =	sshll.u32 s6, $0x1;
	s3 =	sadd.s32 s4, s19  }
0x9c: {  	s7 =	simm.s32 $0x0;
	s20 =	sshll.u32 s5, $0x1;
	s5 =	sadd.s32 s21, s3  }
0x9d: {  	[timem:s7], [sflag:s22] =	dma.local [hbm:s5], s20  }
0x9e: {  	_ =	swait.ge [sflag:s22], s20  }
0x9f: {  	s4 =	ssub.s32 $0x0, s20;
	[sflag:s22] =	ssyncset.done $0x0  }
0xa0: {  	[sflag:s22] =	ssyncadd.s32 s4;
	_ =	sdelay $0x1  }
0xa1: {  	s23 =	simm.s32 $0x1B8B  }
0xa2: {  	_ =	swait.ge [sflag:s23], $0x1  }
0xa3: {  	[sflag:s23] =	ssyncset.done $0x0  }
0xa4: {  	s25 =	simm.s32 $0x1B8E;
	s24 =	sld [smem:$0x3FFE];
	[sflag:s23] =	ssyncadd.s32 $0xFFFFFFFF  }
0xa5: {  	s26 =	simm.s32 $execute0_lowered;
	[smem:$0x3FD2] =	sst s25  }
0xa6: {  	s5 =	sshll.u32 s26, $0x1;
	_ =	strace $0x8000004C;
	[dreg:$0x1] =	wrdreg $0xFFFFFFFF  }
0xa7: {  	s28 =	simm.s32 $_size_execute0_lowered;
	s3 =	sadd.s32 s3, s5;
	[dreg:$0x0] =	wrdreg $0x0  }
0xa8: {  	s5 =	sshll.u32 s28, $0x1;
	[dreg:$0x2] =	wrdreg s3  }
0xa9: {  	[dreg:$0x3] =	wrdreg s5  }
0xaa: {  	[dreg:$0x4] =	wrdreg $0xC0  }
0xab: {  	_ =	task [dreg:s7], $0x5FFFF  }
0xac: {  	[dreg:$0x1] =	wrdreg $0xFFFFFFFF  }
0xad: {  	[dreg:$0x0] =	wrdreg $0x60  }
0xae: {  	[dreg:$0x2] =	wrdreg s24  }
0xaf: {  	[dreg:$0x3] =	wrdreg s2  }
0xb0: {  	[dreg:$0x4] =	wrdreg $0x90000  }
0xb1: {  	[dreg:$0x5] =	wrdreg $0x9  }
0xb2: {  	_ =	task.clear_ibuf [dreg:s7], $0x6FFFF;
	_ =	strace $0x9000004C  }
0xb3: {  	s29 =	simm.s32 $0x9;
	_ =	strace $0x8000004E  }
0xb4: {  	_ =	swait.ge [sflag:s29], $0x1  }
0xb5: {  	[sflag:s29] =	ssyncadd.s32 $0xFFFFFFFF  }
0xb6: {  	_ =	strace $0x9000004E  }
0xb7: {  	_ =	sfence  }
0xb8: {  	s30 =	sld [smem:$0x0];
	_ =	sdelay $0x2  }
0xb9: {  	s31 =	sshll.u32 s1, $0xD;
	s1 =	sshrl.u32 s1, $0x2  }
0xba: {  	s3 =	sand.u32 $0x4000, s31;
	s1 =	sadd.s32 s1, s30  }
0xbb: {  	s0 =	sor.u32 s3, s0;
	s1 =	sshll.u32 s1, $0x11  }
0xbc: {  	s0 =	sor.u32 s1, s0  }
0xbd: {  	s0 =	sadd.s32 $0x8F2B, s0  }
0xbe: {  	[sflag:s0] =	ssyncadd.remote.s32 $0x1  }
0xbf: {  	_ =	sfence.sel $0xFFFF  }
0xc0: {  	[dreg:$0x0] =	wrdreg $0xFFFFFFFF;
	(pc) =	sbr.abs _section_cstart, $3  }
0xc1: {  	[dreg:$0x1] =	wrdreg $0xFFFFFFFF  }
0xc2: {  	_ =	task.clear_ibuf [dreg:s7], $0x2FFFF;
	_ =	strace $0x9FFFFFFF  }
0xc3: {  	(tm) =	ssettm $0x7FFFFFFF  }
tec
execute0_lowered:
.L_overlay_start_1:
0x0: {  	(tag) =	ssettag $0x1  }
0x1: {  	s5 =	rddreg [dreg:$0x0]  }
0x2: {  	s1 =	srdreg.scid;
	s7 =	rddreg [dreg:$0x1]  }
0x3: {  	s0 =	stileid.u32;
	s2 =	rddreg [dreg:$0x2]  }
0x4: {  	s3 =	simm.s32 $0x0;
	s14 =	simm.s32 $0x5000;
	s15 =	simm.s32 $0x1  }
0x5: {  	s16 =	simm.s32 $0x2800;
	s17 =	simm.s32 $0x80;
	s6 =	sand.u32 $0x1, s1  }
0x6: {  	s30 =	sshll.u32 s0, $0x1;
	[smem:$0x7FF] =	sst s3;
	s10 =	smul.u32 $0x14000, s0  }
0x7: {  	s4 =	sadd.s32 $0xCE00, s5;
	s11 =	smul.u32 $0x50000, s0;
	s18 =	sshll.u32 s0, $0x6  }
0x8: {  	s1 =	sor.u32 s6, s30;
	s9 =	smul.u32 $0x140000, s6;
	s6 =	ssub.s32 $0x2, s6  }
0x9: {  	s18 =	sor.u32 $0x1C01, s18;
	s8 =	smul.u32 $0x500, s1;
	s1 =	rddreg [dreg:$0x3]  }
0xa: {  	_ =	strace $0x8000004D;
	s31 =	sshrl.u32 s6, $0x1;
	s9 =	sadd.s32 s10, s9  }
0xb: {  	s11 =	sshrl.u32 s11, $0x2;
	s10 =	ssub.s32 s6, s31;
	s9 =	sshrl.u32 s9, $0x3  }
0xc: {  	s12 =	sadd.s32 s8, s5;
	s7 =	sadd.s32 s7, s8;
	s9 =	sadd.s32 s9, s5  }
0xd: {  	s5 =	sadd.s32 s11, s2;
	s6 =	sadd.s32 $0x2E00, s12;
	s8 =	sadd.s32 $0x34E00, s9  }
0xe: {  	s9 =	smax.u32 s10, $0x1;
	s10 =	sadd.s32 $0x4000, s5;
	s11 =	sadd.s32 $0x8000, s5  }
0xf: {  	v0 =	vimm.f32 $0.0e+00;
	s12 =	sadd.s32 $0xC000, s5;
	s13 =	sadd.s32 $0x10000, s5;
	s19 =	sshrl.u32 s5, $0x3  }
.LBB2_1:
0x10: {  	s20 =	simm.s32 $0x0;
	s21 =	simm.s32 $0x200  }
.LBB2_2:
0x11: {  	p0 =	sne.s32 s21, $0xFE00;
	[tilespmem:s20+$0x5070] =	vst v0  }
0x12: {  	[tilespmem:s20+$0x5000] =	vst v0  }
0x13: {  	[tilespmem:s20+$0x5010] =	vst v0  }
.Ltmp0:
0x14: {  	[tilespmem:s20+$0x5020] =	vst v0;
	(pc) =	sbr.rel @p0 .LBB2_2-.Ltmp0, $4  }
0x15: {  	[tilespmem:s20+$0x5030] =	vst v0  }
0x16: {  	[tilespmem:s20+$0x5040] =	vst v0  }
0x17: {  	[tilespmem:s20+$0x5050] =	vst v0  }
0x18: {  	[tilespmem:s20+$0x5060] =	vst v0;
	s20 =	sshra.s32 s21, $0x2;
	s21 =	sadd.s32 $0x200, s21  }
0x19: {  	[tilespmem:s20+$0x5070] =	vst v0  }
0x1a: {  	[tilespmem:s20+$0x5000] =	vst v0  }
0x1b: {  	[tilespmem:s20+$0x5010] =	vst v0  }
0x1c: {  	[tilespmem:s20+$0x5020] =	vst v0  }
0x1d: {  	[tilespmem:s20+$0x5030] =	vst v0  }
0x1e: {  	[tilespmem:s20+$0x5040] =	vst v0  }
0x1f: {  	[tilespmem:s20+$0x5050] =	vst v0  }
0x20: {  	[tilespmem:s20+$0x5060] =	vst v0  }
0x21: {  	[spmem:s5] =	stream.linear.scatter [tilespmem:s14], [sflag:$0x1], $0x4000, $0x38;
	[tilespmem:$0x1D000] =	vst v63  }
0x22: {  	_ =	swait.ge [sflag:s15], $0x4000  }
0x23: {  	[sflag:s15] =	ssyncset.done $0x0  }
0x24: {  	[sflag:s15] =	ssyncadd.s32 $0xFFFFC000  }
0x25: {  	[spmem:s10] =	stream.linear.scatter [tilespmem:s14], [sflag:$0x1], $0x4000, $0x38;
	[tilespmem:$0x1D000] =	vst v63  }
0x26: {  	_ =	swait.ge [sflag:s15], $0x4000  }
0x27: {  	[sflag:s15] =	ssyncset.done $0x0  }
0x28: {  	[sflag:s15] =	ssyncadd.s32 $0xFFFFC000  }
0x29: {  	[spmem:s11] =	stream.linear.scatter [tilespmem:s14], [sflag:$0x1], $0x4000, $0x38;
	[tilespmem:$0x1D000] =	vst v63  }
0x2a: {  	_ =	swait.ge [sflag:s15], $0x4000  }
0x2b: {  	[sflag:s15] =	ssyncset.done $0x0  }
0x2c: {  	[sflag:s15] =	ssyncadd.s32 $0xFFFFC000  }
0x2d: {  	[spmem:s12] =	stream.linear.scatter [tilespmem:s14], [sflag:$0x1], $0x4000, $0x38;
	[tilespmem:$0x1D000] =	vst v63  }
0x2e: {  	_ =	swait.ge [sflag:s15], $0x4000  }
0x2f: {  	[sflag:s15] =	ssyncset.done $0x0  }
0x30: {  	[sflag:s15] =	ssyncadd.s32 $0xFFFFC000  }
0x31: {  	[spmem:s13] =	stream.linear.scatter [tilespmem:s14], [sflag:$0x1], $0x4000, $0x38;
	[tilespmem:$0x1D000] =	vst v63  }
0x32: {  	_ =	swait.ge [sflag:s15], $0x4000  }
0x33: {  	[sflag:s15] =	ssyncset.done $0x0  }
0x34: {  	[sflag:s15] =	ssyncadd.s32 $0xFFFFC000  }
0x35: {  	s29 =	simm.s32 $0x0;
	[bflag:$0x0] =	sbarrier.arrive $0xFFFF  }
0x36: {  	[tilespmem:s29], [sflag:$0x1] =	stream.linear.gather [hbm4b:s6+s29], $0x2800, $0x38;
	[tilespmem:$0x1D000] =	vst v63  }
0x37: {  	_ =	swait.ge [sflag:s15], $0x2800  }
0x38: {  	[sflag:s15] =	ssyncset.done $0x0  }
0x39: {  	[sflag:s15] =	ssyncadd.s32 $0xFFFFD800  }
0x3a: {  	[tilespmem:s16], [sflag:$0x1] =	stream.linear.gather [hbm4b:s7+s29], $0x2800, $0x38;
	[tilespmem:$0x1D000] =	vst v63  }
0x3b: {  	_ =	swait.ge [sflag:s15], $0x2800  }
0x3c: {  	[sflag:s15] =	ssyncset.done $0x0  }
0x3d: {  	s30 =	simm.s32 $0x0;
	[sflag:s15] =	ssyncadd.s32 $0xFFFFD800  }
0x3e: {  	[tilespmem:s14], [sflag:$0x1] =	stream.indirect.gather [hbm4b:s4+s17], $0x80, s30, s17, $0xb8;
	[tilespmem:$0x1D000] =	vst v63  }
0x3f: {  	_ =	swait.ge [sflag:s15], $0x4000  }
0x40: {  	[sflag:s15] =	ssyncset.done $0x0  }
0x41: {  	s31 =	simm.s32 $0x2800;
	[sflag:s15] =	ssyncadd.s32 $0xFFFFC000  }
0x42: {  	[spmem:s2] =	stream.indirect.scatter.add.f32 [tilespmem:s14], [sflag:$0x1], $0x80, s31, s17, $0xb8;
	[tilespmem:$0x1D000] =	vst v63  }
0x43: {  	_ =	swait.ge [sflag:s15], $0x4000  }
0x44: {  	s20 =	simm.s32 $0x200;
	s21 =	simm.s32 $0x400;
	[sflag:s15] =	ssyncset.done $0x0  }
.LBB2_4:
0x45: {  	s22 =	sshra.s32 s20, $0x2  }
0x46: {  	[sflag:s15] =	ssyncadd.s32 $0xFFFFC000;
	s20 =	smov.u32 s21;
	s23 =	sadd.s32 $0x200, s21  }
0x47: {  	[tilespmem:s14], [sflag:$0x1] =	stream.indirect.gather [hbm4b:s4+s17], $0x80, s22, s17, $0xb8;
	[tilespmem:$0x1D000] =	vst v63  }
0x48: {  	p0 =	sne.s32 s21, $0x9E00;
	_ =	swait.ge [sflag:s15], $0x4000  }
.Ltmp1:
0x49: {  	[sflag:s15] =	ssyncset.done $0x0;
	(pc) =	sbr.rel @p0 .LBB2_4-.Ltmp1, $4  }
0x4a: {  	s21 =	sadd.s32 $0x2800, s22;
	[sflag:s15] =	ssyncadd.s32 $0xFFFFC000  }
0x4b: {  	[spmem:s2] =	stream.indirect.scatter.add.f32 [tilespmem:s14], [sflag:$0x1], $0x80, s21, s17, $0xb8;
	[tilespmem:$0x1D000] =	vst v63  }
0x4c: {  	_ =	swait.ge [sflag:s15], $0x4000  }
0x4d: {  	s21 =	smov.u32 s23;
	[sflag:s15] =	ssyncset.done $0x0  }
0x4e: {  	s20 =	sshra.s32 s20, $0x2;
	[sflag:s15] =	ssyncadd.s32 $0xFFFFC000  }
0x4f: {  	[tilespmem:s14], [sflag:$0x1] =	stream.indirect.gather [hbm4b:s4+s17], $0x80, s20, s17, $0xb8;
	[tilespmem:$0x1D000] =	vst v63  }
0x50: {  	_ =	swait.ge [sflag:s15], $0x4000  }
0x51: {  	[sflag:s15] =	ssyncset.done $0x0  }
0x52: {  	s20 =	sadd.s32 $0x2800, s20;
	[sflag:s15] =	ssyncadd.s32 $0xFFFFC000  }
0x53: {  	[spmem:s2] =	stream.indirect.scatter.add.f32 [tilespmem:s14], [sflag:$0x1], $0x80, s20, s17, $0xb8;
	[tilespmem:$0x1D000] =	vst v63  }
0x54: {  	_ =	swait.ge [sflag:s15], $0x4000  }
0x55: {  	s3 =	sadd.s32 $0x1, s3;
	[sflag:s15] =	ssyncset.done $0x0  }
0x56: {  	p0 =	sne.s32 s3, s9;
	[sflag:s15] =	ssyncadd.s32 $0xFFFFC000  }
.Ltmp2:
0x57: {  	[bflag:$0x0] =	sbarrier.arrive $0xFFFF;
	(pc) =	sbr.rel @p0 .LBB2_1-.Ltmp2, $4  }
0x58: {  	[hbm:s8], [sflag:s18] =	dma.local [spmem:s19], $0x2800  }
0x59: {  	_ =	swait.ge [sflag:s15], $0x2800  }
0x5a: {  	[sflag:s15] =	ssyncset.done $0x0  }
0x5b: {  	[sflag:s15] =	ssyncadd.s32 $0xFFFFD800  }
0x5c: {  	_ =	sfence.sel $0x180000  }
0x5d: {  	[bflag:$0x0] =	sbarrier.arrive $0xFFFF  }
0x5e: {  	p0 =	sne.s32 s0, $0x0;
	_ =	strace $0x9000004D  }
0x5f: {  	s0 =	sadd.s32 @!p0 $0x100000, s1;
	[bflag:$0x2] =	sbarrier.arrive $0xFFFF  }
0x60: {  	[sflag:s0] =	ssyncadd.tile.s32 @!p0 $0x1;
	_ =	shalt  }
.Lfunc_end2:
_tile_overlayer_lowered:
.L_overlay_start_2:
0x61: {  	(tag) =	ssettag $0x2  }
0x62: {  	s0 =	rddreg [dreg:$0x0];
	s2 =	stileid.u32  }
0x63: {  	s1 =	rddreg [dreg:$0x1];
	p0 =	sne.s32 s2, $0x0  }
0x64: {  	s3 =	rddreg [dreg:$0x2];
	[bflag:$0x3] =	sbarrier.arrive $0xFFFF;
	s2 =	simm.s32 @!p0 $0x1C01  }
0x65: {  	[timem:s3], [sflag:s2] =	dma.local @!p0 [hbm:s0], s1  }
0x66: {  	s0 =	simm.s32 @!p0 $0x1  }
0x67: {  	_ =	swait.ge @!p0 [sflag:s0], s1  }
0x68: {  	s1 =	ssub.s32 @!p0 $0x0, s1;
	[sflag:s0] =	ssyncset.done @!p0 $0x0  }
0x69: {  	[sflag:s0] =	ssyncadd.s32 @!p0 s1  }
0x6a: {  	[bflag:$0x3] =	sbarrier.arrive $0xFFFF  }
0x6b: {  	_ =	shalt  }

// kernel: kernel.9.cloned.1.call-start
scs
__scs_entry_jumppad:
0x0: {  	(pc) =	sbr.rel $0x88, $3  }
0x1: {  	(tag) =	ssettag $0x0;
	lr =	simm.s32 $0x1  }
0x2: {  	[smem:$0x3F99] =	sst lr;
	_ =	strace $0xD0000000  }
0x3: {  	_ = 	snop  }
0x4: {  	_ = 	snop  }
0x5: {  	_ = 	snop  }
0x6: {  	_ = 	snop  }
0x7: {  	_ = 	snop  }
__scs_overlays_trampoline_lowered:
0x8: {  	[smem:$0x3FA8] =	sst s0  }
0x9: {  	[smem:$0x3FA9] =	sst s1  }
0xa: {  	[smem:$0x3FAA] =	sst s2  }
0xb: {  	[smem:$0x3FAB] =	sst s3  }
0xc: {  	[smem:$0x3FAC] =	sst s4  }
0xd: {  	[smem:$0x3FAD] =	sst s5  }
0xe: {  	[smem:$0x3FAE] =	sst s6  }
0xf: {  	[smem:$0x3FAF] =	sst s7  }
0x10: {  	[smem:$0x3FB0] =	sst s8  }
0x11: {  	[smem:$0x3FB1] =	sst s9;
	s0 =	simm.s32 @!p0 $0x0  }
0x12: {  	s1 =	sld [smem:$0x3F97];
	s0 =	simm.s32 @p0 $0x1  }
0x13: {  	[smem:$0x3FB2] =	sst s0;
	s0 =	simm.s32 @!p1 $0x0  }
0x14: {  	s2 =	sld [smem:$0x3F96];
	s0 =	simm.s32 @p1 $0x1  }
0x15: {  	[smem:$0x3FB3] =	sst s0;
	s0 =	simm.s32 @!p2 $0x0  }
0x16: {  	s3 =	sld [smem:$0x3FDB];
	s0 =	simm.s32 @p2 $0x1  }
0x17: {  	s4 =	simm.s32 $0x1BF5;
	[smem:$0x3FB5] =	sst s0  }
0x18: {  	s0 =	sld [smem:$0x3F98];
	_ =	swait.ge [sflag:s4], $0x0  }
0x19: {  	s7 =	sld [smem:$0x3F99]  }
0x1a: {  	s8 =	sadd.s32 $0xFFFFE003, lr  }
0x1b: {  	s9 =	sadd.s32 $0xFFFFFEF7, lr;
	s5 =	simm.s32 $0xFFFFFFFF;
	p2 =	slt.u32 s8, $0xFFFFF086  }
0x1c: {  	p1 =	slt.u32 s9, $0xF7A;
	s5 =	simm.s32 @!p2 $0x0  }
0x1d: {  	s5 =	simm.s32 @p1 $0x1;
	p0 =	seq.s32 s7, s2  }
0x1e: {  	s7 =	smul.u32 @!p0 $0xF7A, s2;
	p2 =	seq.s32 @!p0 s5, $0x0  }
0x1f: {  	s9 =	smul.u32 $0xF7A, s1;
	s8 =	simm.s32 @!p0 $0x1BF5;
	p2 =	por !p2, p0  }
0x20: {  	[sflag:s8] =	ssyncset.s32 @!p0 $0xFFFFF086;
	s6 =	sadd.s32 @!p0 s3, s7;
	s7 =	simm.s32 @!p0 $0x108  }
0x21: {  	s3 =	sadd.s32 s3, s9;
	s6 =	sadd.s32 @!p0 $0x88, s6;
	s7 =	simm.s32 @p2 $0x1082  }
0x22: {  	[simem:s7], [sflag:s8] =	dma.local @!p0 [hbm:s6], $0xF7A  }
0x23: {  	s9 =	sor.u32 $0xD0000000, s2;
	s6 =	simm.s32 $0x108;
	_ =	swait.ge @!p0 [sflag:s8], $0x0  }
0x24: {  	s3 =	sadd.s32 $0x88, s3;
	s6 =	simm.s32 @!p1 $0x1082;
	[sflag:s4] =	ssyncset.s32 $0xFFFFF086  }
0x25: {  	[simem:s6], [sflag:s4] =	dma.local [hbm:s3], $0xF7A  }
0x26: {  	[smem:$0x3F99] =	sst s1;
	(tag) =	ssettag s2;
	_ =	strace s9  }
0x27: {  	s1 =	sld [smem:$0x3FA9]  }
0x28: {  	s2 =	sld [smem:$0x3FAA]  }
0x29: {  	s4 =	sld [smem:$0x3FAC]  }
0x2a: {  	p0 =	seq.s32 s5, $0x0;
	s5 =	sld [smem:$0x3FAD]  }
0x2b: {  	s6 =	sld [smem:$0x3FAE]  }
0x2c: {  	s7 =	sld [smem:$0x3FAF]  }
0x2d: {  	s3 =	simm.s32 $0x108;
	s8 =	sld [smem:$0x3FB0]  }
0x2e: {  	s3 =	simm.s32 @!p0 $0x1082;
	s9 =	sld [smem:$0x3FB1]  }
0x2f: {  	lr =	sadd.s32 s0, s3;
	s0 =	sld [smem:$0x3FA8]  }
0x30: {  	s3 =	sld [smem:$0x3FAB]  }
0x31: {  	[smem:$0x3FB4] =	sst s10  }
0x32: {  	s10 =	sld [smem:$0x3FB2];
	_ =	sdelay $0x3  }
0x33: {  	p0 =	seq.s32 s10, $0x1;
	s10 =	sld [smem:$0x3FB4];
	_ =	sdelay $0x3  }
0x34: {  	[smem:$0x3FB4] =	sst s10  }
0x35: {  	s10 =	sld [smem:$0x3FB3];
	_ =	sdelay $0x3  }
0x36: {  	p1 =	seq.s32 s10, $0x1;
	s10 =	sld [smem:$0x3FB4];
	_ =	sdelay $0x3  }
0x37: {  	[smem:$0x3FB4] =	sst s10  }
0x38: {  	s10 =	sld [smem:$0x3FB5]  }
0x39: {  	_ = 	snop;
	(pc) =	sbr.ind lr, $3  }
0x3a: {  	_ = 	snop  }
0x3b: {  	_ = 	snop  }
0x3c: {  	p2 =	seq.s32 s10, $0x1;
	s10 =	sld [smem:$0x3FB4]  }
0x3d: {  	_ =	shalt  }
0x3e: {  	_ =	shalt  }
0x3f: {  	_ =	shalt  }
0x40: {  	_ =	shalt  }
0x41: {  	_ =	shalt  }
0x42: {  	_ =	shalt  }
0x43: {  	_ =	shalt  }
0x44: {  	_ =	shalt  }
0x45: {  	_ =	shalt  }
0x46: {  	_ =	shalt  }
0x47: {  	_ =	shalt  }
0x48: {  	_ =	shalt  }
0x49: {  	_ =	shalt  }
0x4a: {  	_ =	shalt  }
0x4b: {  	_ =	shalt  }
0x4c: {  	_ =	shalt  }
0x4d: {  	_ =	shalt  }
0x4e: {  	_ =	shalt  }
0x4f: {  	_ =	shalt  }
0x50: {  	_ =	shalt  }
0x51: {  	_ =	shalt  }
0x52: {  	_ =	shalt  }
0x53: {  	_ =	shalt  }
0x54: {  	_ =	shalt  }
0x55: {  	_ =	shalt  }
0x56: {  	_ =	shalt  }
0x57: {  	_ =	shalt  }
0x58: {  	_ =	shalt  }
0x59: {  	_ =	shalt  }
0x5a: {  	_ =	shalt  }
0x5b: {  	_ =	shalt  }
0x5c: {  	_ =	shalt  }
0x5d: {  	_ =	shalt  }
0x5e: {  	_ =	shalt  }
0x5f: {  	_ =	shalt  }
0x60: {  	_ =	shalt  }
0x61: {  	_ =	shalt  }
0x62: {  	_ =	shalt  }
0x63: {  	_ =	shalt  }
0x64: {  	_ =	shalt  }
0x65: {  	_ =	shalt  }
0x66: {  	_ =	shalt  }
0x67: {  	_ =	shalt  }
0x68: {  	_ =	shalt  }
0x69: {  	_ =	shalt  }
0x6a: {  	_ =	shalt  }
0x6b: {  	_ =	shalt  }
0x6c: {  	_ =	shalt  }
0x6d: {  	_ =	shalt  }
0x6e: {  	_ =	shalt  }
0x6f: {  	_ =	shalt  }
0x70: {  	_ =	shalt  }
0x71: {  	_ =	shalt  }
0x72: {  	_ =	shalt  }
0x73: {  	_ =	shalt  }
0x74: {  	_ =	shalt  }
0x75: {  	_ =	shalt  }
0x76: {  	_ =	shalt  }
0x77: {  	_ =	shalt  }
0x78: {  	_ =	shalt  }
0x79: {  	_ =	shalt  }
0x7a: {  	_ =	shalt  }
0x7b: {  	_ =	shalt  }
0x7c: {  	_ =	shalt  }
0x7d: {  	_ =	shalt  }
0x7e: {  	_ =	shalt  }
0x7f: {  	_ =	shalt  }
0x80: {  	_ =	shalt  }
0x81: {  	_ =	shalt  }
0x82: {  	_ =	shalt  }
0x83: {  	_ =	shalt  }
0x84: {  	_ =	shalt  }
0x85: {  	_ =	shalt  }
0x86: {  	_ =	shalt  }
0x87: {  	_ =	shalt  }
.Lfunc_end0:
.L_simem_size_0:
called_computation_lowered:
.L_overlay_start_0:
0x88: {  	s2 =	sld [smem:$0x3FD9]  }
0x89: {  	s3 =	sld [smem:$0x3FFE];
	_ =	sdelay $0x1  }
0x8a: {  	s1 =	srdreg.scid  }
0x8b: {  	s0 =	sand.u32 $0x1, s1  }
0x8c: {  	s17 =	sshll.u32 s0, $0xA;
	s2 =	sadd.s32 s3, s2  }
0x8d: {  	s2 =	sadd.s32 s2, s17  }
0x8e: {  	[smem:$0x3FC0] =	sst s2  }
0x8f: {  	_ = 	snop  }
0x90: {  	s2 =	sld [smem:$0x3FD0];
	(tm) =	ssettm $0x1  }
0x91: {  	s18 =	sld [smem:$0x3FFB];
	_ =	sdelay $0x3  }
0x92: {  	_ =	strace s18  }
0x93: {  	s3 =	sld [smem:$0x3FFC];
	_ =	sdelay $0x3  }
0x94: {  	_ =	strace s3  }
0x95: {  	s3 =	sld [smem:$0x3FFD];
	_ =	sdelay $0x3  }
0x96: {  	_ =	strace s3  }
0x97: {  	_ =	strace $0x8FFFFFFF  }
0x98: {  	s19 =	sld [smem:$0x3FDB];
	_ =	sdelay $0x1  }
0x99: {  	s4 =	simm.s32 $_scs_section_size  }
0x9a: {  	s5 =	simm.s32 $_size__tile_overlayer_lowered;
	s6 =	simm.s32 $_tile_overlayer_lowered  }
0x9b: {  	s22 =	simm.s32 $0x1BFF;
	s21 =	sshll.u32 s6, $0x1;
	s3 =	sadd.s32 s4, s19  }
0x9c: {  	s7 =	simm.s32 $0x0;
	s20 =	sshll.u32 s5, $0x1;
	s5 =	sadd.s32 s21, s3  }
0x9d: {  	[timem:s7], [sflag:s22] =	dma.local [hbm:s5], s20  }
0x9e: {  	_ =	swait.ge [sflag:s22], s20  }
0x9f: {  	s4 =	ssub.s32 $0x0, s20;
	[sflag:s22] =	ssyncset.done $0x0  }
0xa0: {  	[sflag:s22] =	ssyncadd.s32 s4;
	_ =	sdelay $0x1  }
0xa1: {  	s23 =	simm.s32 $0x1B8B  }
0xa2: {  	_ =	swait.ge [sflag:s23], $0x1  }
0xa3: {  	[sflag:s23] =	ssyncset.done $0x0  }
0xa4: {  	s25 =	simm.s32 $0x1B8E;
	s24 =	sld [smem:$0x3FFE];
	[sflag:s23] =	ssyncadd.s32 $0xFFFFFFFF  }
0xa5: {  	s26 =	simm.s32 $execute0_lowered;
	[smem:$0x3FD2] =	sst s25  }
0xa6: {  	s5 =	sshll.u32 s26, $0x1;
	_ =	strace $0x80000046;
	[dreg:$0x1] =	wrdreg $0xFFFFFFFF  }
0xa7: {  	s28 =	simm.s32 $_size_execute0_lowered;
	s3 =	sadd.s32 s3, s5;
	[dreg:$0x0] =	wrdreg $0x0  }
0xa8: {  	s5 =	sshll.u32 s28, $0x1;
	[dreg:$0x2] =	wrdreg s3  }
0xa9: {  	[dreg:$0x3] =	wrdreg s5  }
0xaa: {  	[dreg:$0x4] =	wrdreg $0xC0  }
0xab: {  	_ =	task [dreg:s7], $0x5FFFF  }
0xac: {  	[dreg:$0x1] =	wrdreg $0xFFFFFFFF  }
0xad: {  	[dreg:$0x0] =	wrdreg $0x60  }
0xae: {  	[dreg:$0x2] =	wrdreg s2  }
0xaf: {  	[dreg:$0x3] =	wrdreg s24  }
0xb0: {  	[dreg:$0x4] =	wrdreg $0x2B000  }
0xb1: {  	[dreg:$0x5] =	wrdreg $0x9  }
0xb2: {  	_ =	task.clear_ibuf [dreg:s7], $0x6FFFF;
	_ =	strace $0x90000046  }
0xb3: {  	s29 =	simm.s32 $0x9;
	_ =	strace $0x80000048  }
0xb4: {  	_ =	swait.ge [sflag:s29], $0x1  }
0xb5: {  	[sflag:s29] =	ssyncadd.s32 $0xFFFFFFFF  }
0xb6: {  	_ =	strace $0x90000048  }
0xb7: {  	_ =	sfence  }
0xb8: {  	s30 =	sld [smem:$0x0];
	_ =	sdelay $0x2  }
0xb9: {  	s31 =	sshll.u32 s1, $0xD;
	s1 =	sshrl.u32 s1, $0x2  }
0xba: {  	s3 =	sand.u32 $0x4000, s31;
	s1 =	sadd.s32 s1, s30  }
0xbb: {  	s0 =	sor.u32 s3, s0;
	s1 =	sshll.u32 s1, $0x11  }
0xbc: {  	s0 =	sor.u32 s1, s0  }
0xbd: {  	s0 =	sadd.s32 $0x8F2B, s0  }
0xbe: {  	[sflag:s0] =	ssyncadd.remote.s32 $0x1  }
0xbf: {  	_ =	sfence.sel $0xFFFF  }
0xc0: {  	[dreg:$0x0] =	wrdreg $0xFFFFFFFF;
	(pc) =	sbr.abs _section_cstart, $3  }
0xc1: {  	[dreg:$0x1] =	wrdreg $0xFFFFFFFF  }
0xc2: {  	_ =	task.clear_ibuf [dreg:s7], $0x2FFFF;
	_ =	strace $0x9FFFFFFF  }
0xc3: {  	(tm) =	ssettm $0x7FFFFFFF  }
tec
execute0_lowered:
.L_overlay_start_1:
0x0: {  	(tag) =	ssettag $0x1  }
0x1: {  	s5 =	rddreg [dreg:$0x0]  }
0x2: {  	s4 =	rddreg [dreg:$0x1]  }
0x3: {  	s2 =	rddreg [dreg:$0x2]  }
0x4: {  	s0 =	rddreg [dreg:$0x3]  }
0x5: {  	s3 =	simm.s32 $0x0;
	s6 =	srdreg.scid;
	s1 =	stileid.u32  }
0x6: {  	s11 =	simm.s32 $0x2800;
	s14 =	simm.s32 $0x20;
	s15 =	simm.s32 $0x10  }
0x7: {  	s16 =	simm.s32 $0x0;
	[smem:$0x7FF] =	sst s3;
	s7 =	smul.u32 $0x500, s1  }
0x8: {  	s6 =	sand.u32 $0x1, s6;
	s9 =	sshll.u32 s1, $0x1;
	s30 =	smul.u32 $0xA00, s1  }
0x9: {  	s12 =	sshll.u32 s1, $0x6;
	_ =	strace $0x80000047;
	s8 =	sshll.u32 s6, $0x7  }
0xa: {  	s29 =	sor.u32 s6, s9;
	s6 =	ssub.s32 $0x2, s6;
	s12 =	sor.u32 $0x1C01, s12  }
0xb: {  	s7 =	sor.u32 s8, s7;
	s8 =	smul.u32 $0x500, s29;
	s31 =	sshrl.u32 s6, $0x1  }
0xc: {  	s9 =	sshrl.u32 s30, $0x2;
	s7 =	sshrl.u32 s7, $0x3;
	s10 =	ssub.s32 s6, s31  }
0xd: {  	s7 =	sadd.s32 s7, s4;
	s4 =	sadd.s32 s9, s2;
	s5 =	sadd.s32 s5, s8  }
0xe: {  	s8 =	simm.s32 $0x2880;
	s9 =	simm.s32 $0x1;
	s6 =	sadd.s32 $0x2400, s7  }
0xf: {  	v0 =	vimm.f32 $1.000000000e+00;
	v1 =	vimm.f32 $0.0e+00;
	s7 =	smax.u32 s10, $0x1;
	s10 =	simm.s32 $0x80;
	s13 =	sshrl.u32 s4, $0x3  }
.LBB2_1:
0x10: {  	[tilespmem:$0x2800] =	vst v0  }
0x11: {  	[tilespmem:$0x2810] =	vst v0  }
0x12: {  	[tilespmem:$0x2820] =	vst v0  }
0x13: {  	[tilespmem:$0x2830] =	vst v0  }
0x14: {  	[tilespmem:$0x2840] =	vst v0  }
0x15: {  	[tilespmem:$0x2850] =	vst v0  }
0x16: {  	[tilespmem:$0x2860] =	vst v0  }
0x17: {  	[tilespmem:$0x2870] =	vst v0  }
0x18: {  	[tilespmem:$0x2880] =	vst v1  }
0x19: {  	[tilespmem:$0x2890] =	vst v1  }
0x1a: {  	[tilespmem:$0x28A0] =	vst v1  }
0x1b: {  	[tilespmem:$0x28B0] =	vst v1  }
0x1c: {  	[tilespmem:$0x28C0] =	vst v1  }
0x1d: {  	[tilespmem:$0x28D0] =	vst v1  }
0x1e: {  	[tilespmem:$0x28E0] =	vst v1  }
0x1f: {  	[tilespmem:$0x28F0] =	vst v1  }
0x20: {  	[tilespmem:$0x2900] =	vst v1  }
0x21: {  	[tilespmem:$0x2910] =	vst v1  }
0x22: {  	[tilespmem:$0x2920] =	vst v1  }
0x23: {  	[tilespmem:$0x2930] =	vst v1  }
0x24: {  	[tilespmem:$0x2940] =	vst v1  }
0x25: {  	[tilespmem:$0x2950] =	vst v1  }
0x26: {  	[tilespmem:$0x2960] =	vst v1  }
0x27: {  	[tilespmem:$0x2970] =	vst v1  }
0x28: {  	[tilespmem:$0x2980] =	vst v1  }
0x29: {  	[tilespmem:$0x2990] =	vst v1  }
0x2a: {  	[tilespmem:$0x29A0] =	vst v1  }
0x2b: {  	[tilespmem:$0x29B0] =	vst v1  }
0x2c: {  	[tilespmem:$0x29C0] =	vst v1  }
0x2d: {  	[tilespmem:$0x29D0] =	vst v1  }
0x2e: {  	[tilespmem:$0x29E0] =	vst v1  }
0x2f: {  	[tilespmem:$0x29F0] =	vst v1  }
0x30: {  	[tilespmem:$0x2A00] =	vst v1  }
0x31: {  	[tilespmem:$0x2A10] =	vst v1  }
0x32: {  	[tilespmem:$0x2A20] =	vst v1  }
0x33: {  	[tilespmem:$0x2A30] =	vst v1  }
0x34: {  	[tilespmem:$0x2A40] =	vst v1  }
0x35: {  	[tilespmem:$0x2A50] =	vst v1  }
0x36: {  	[tilespmem:$0x2A60] =	vst v1  }
0x37: {  	[tilespmem:$0x2A70] =	vst v1  }
0x38: {  	[tilespmem:$0x2A80] =	vst v1  }
0x39: {  	[tilespmem:$0x2A90] =	vst v1  }
0x3a: {  	[tilespmem:$0x2AA0] =	vst v1  }
0x3b: {  	[tilespmem:$0x2AB0] =	vst v1  }
0x3c: {  	[tilespmem:$0x2AC0] =	vst v1  }
0x3d: {  	[tilespmem:$0x2AD0] =	vst v1  }
0x3e: {  	[tilespmem:$0x2AE0] =	vst v1  }
0x3f: {  	[tilespmem:$0x2AF0] =	vst v1  }
0x40: {  	[spmem:s4] =	stream.linear.scatter [tilespmem:s8], [sflag:$0x1], $0x280, $0x38;
	[tilespmem:$0x2D80] =	vst v63  }
0x41: {  	_ =	swait.ge [sflag:s9], $0x280  }
0x42: {  	[sflag:s9] =	ssyncset.done $0x0  }
0x43: {  	[sflag:s9] =	ssyncadd.s32 $0xFFFFFD80  }
0x44: {  	[bflag:$0x0] =	sbarrier.arrive $0xFFFF  }
0x45: {  	[tilespmem:s3], [sflag:$0x1] =	stream.linear.gather [hbm4b:s5+s3], $0x2800, $0x38;
	[tilespmem:$0x2D80] =	vst v63  }
0x46: {  	_ =	swait.ge [sflag:s9], $0x2800  }
0x47: {  	[sflag:s9] =	ssyncset.done $0x0  }
0x48: {  	s17 =	simm.s32 $0x0;
	[sflag:s9] =	ssyncadd.s32 $0xFFFFD800  }
0x49: {  	[spmem:s2] =	stream.indirect.scatter.add.f32 [tilespmem:s11], [sflag:$0x1], $0x1, s17, s10, $0xb8;
	[tilespmem:$0x2D80] =	vst v63  }
0x4a: {  	_ =	swait.ge [sflag:s9], $0x80  }
0x4b: {  	s17 =	simm.s32 $0x200;
	[sflag:s9] =	ssyncset.done $0x0  }
.LBB2_2:
0x4c: {  	s18 =	sshra.s32 s17, $0x2;
	[sflag:s9] =	ssyncadd.s32 $0xFFFFFF80;
	p0 =	sne.s32 s17, $0x9E00  }
0x4d: {  	[spmem:s2] =	stream.indirect.scatter.add.f32 [tilespmem:s11], [sflag:$0x1], $0x1, s18, s10, $0xb8;
	[tilespmem:$0x2D80] =	vst v63  }
.Ltmp0:
0x4e: {  	_ = 	snop;
	(pc) =	sbr.rel @p0 .LBB2_2-.Ltmp0, $4  }
0x4f: {  	_ = 	snop  }
0x50: {  	s17 =	sadd.s32 $0x200, s17  }
0x51: {  	_ =	swait.ge [sflag:s9], $0x80  }
0x52: {  	[sflag:s9] =	ssyncset.done $0x0  }
0x53: {  	s16 =	sadd.s32 $0x1, s16  }
0x54: {  	[sflag:s9] =	ssyncadd.s32 $0xFFFFFF80;
	p0 =	sne.s32 s16, s7  }
.Ltmp1:
0x55: {  	[bflag:$0x0] =	sbarrier.arrive $0xFFFF;
	(pc) =	sbr.rel @p0 .LBB2_1-.Ltmp1, $4  }
0x56: {  	[hbm:s6@s14], [sflag:s12] =	dma.strided [spmem:s13@s15], $0x50, s9, $0x10   }
0x57: {  	_ =	swait.ge [sflag:s9], $0x50  }
0x58: {  	[sflag:s9] =	ssyncset.done $0x0  }
0x59: {  	[sflag:s9] =	ssyncadd.s32 $0xFFFFFFB0  }
0x5a: {  	_ =	sfence.sel $0x180000  }
0x5b: {  	[bflag:$0x0] =	sbarrier.arrive $0xFFFF  }
0x5c: {  	p0 =	sne.s32 s1, $0x0;
	_ =	strace $0x90000047  }
0x5d: {  	s0 =	sadd.s32 @!p0 $0x100000, s0;
	[bflag:$0x2] =	sbarrier.arrive $0xFFFF  }
0x5e: {  	[sflag:s0] =	ssyncadd.tile.s32 @!p0 $0x1;
	_ =	shalt  }
.Lfunc_end2:
_tile_overlayer_lowered:
.L_overlay_start_2:
0x5f: {  	(tag) =	ssettag $0x2  }
0x60: {  	s0 =	rddreg [dreg:$0x0];
	s2 =	stileid.u32  }
0x61: {  	s1 =	rddreg [dreg:$0x1];
	p0 =	sne.s32 s2, $0x0  }
0x62: {  	s3 =	rddreg [dreg:$0x2];
	[bflag:$0x3] =	sbarrier.arrive $0xFFFF;
	s2 =	simm.s32 @!p0 $0x1C01  }
0x63: {  	[timem:s3], [sflag:s2] =	dma.local @!p0 [hbm:s0], s1  }
0x64: {  	s0 =	simm.s32 @!p0 $0x1  }
0x65: {  	_ =	swait.ge @!p0 [sflag:s0], s1  }
0x66: {  	s1 =	ssub.s32 @!p0 $0x0, s1;
	[sflag:s0] =	ssyncset.done @!p0 $0x0  }
0x67: {  	[sflag:s0] =	ssyncadd.s32 @!p0 s1  }
0x68: {  	[bflag:$0x3] =	sbarrier.arrive $0xFFFF  }
0x69: {  	_ =	shalt  }

</sc_bundles>
